<compile_context>
chip_gen: v7x
topology: tpu7x:2x2x1
jax: 0.10.2.dev20260603
libtpu: 0.0.44.dev20260713+nightly
codegen_flags: <defaults>
</compile_context>

<pallas_src>
import jax
import jax.numpy as jnp
from jax import lax
from jax.experimental import pallas as pl
from jax.experimental.pallas import tpu as pltpu
from jax.experimental.pallas import tpu_sc as plsc

NC = 2
NS = 16
NW = NC * NS

BATCH = 4096
MAXLEN = 200
EMBED = 64
PAD = 128

ROWS = BATCH * MAXLEN
RPW = ROWS // NW
CHUNK = 128
NCHUNK = RPW // CHUNK
NBUF = 3
BLK = 8
CPB = BLK
NBLK = NCHUNK // CPB


def _emb_body(x_hbm, tok_hbm, pose_hbm, iota_hbm, out_hbm,
              idxb_v, iota_v, ibufs, pose_sh, obufs_sh, isems, gsems, osems):
    sid = lax.axis_index("s")
    wid = sid * NC + lax.axis_index("c")
    base = wid * RPW
    obufs = obufs_sh.at[sid]

    @pl.when(sid == 0)
    def _():
        pltpu.sync_copy(pose_hbm, pose_sh)
    pltpu.sync_copy(iota_hbm, iota_v)
    plsc.subcore_barrier()

    def idx_block_descr(k):
        st = pl.multiple_of(wid * NCHUNK + k * BLK, 8)
        kr = lax.rem(k, 2)
        return pltpu.make_async_copy(
            x_hbm.at[pl.ds(st, BLK)], idxb_v.at[kr], isems.at[kr])

    def idx_ref(c):
        kr = lax.rem(lax.div(c, BLK), 2)
        j = lax.rem(c, BLK)
        return idxb_v.at[kr].at[j]

    def gather(c):
        b = lax.rem(c, NBUF)
        pltpu.async_copy(tok_hbm.at[idx_ref(c)], ibufs.at[b], gsems.at[b])

    def gather_wait(c):
        b = lax.rem(c, NBUF)
        pltpu.make_async_copy(tok_hbm.at[idx_ref(c)], ibufs.at[b],
                              gsems.at[b]).wait()

    def store_descr(c):
        b = lax.rem(c, NBUF)
        st = pl.multiple_of(base + c * CHUNK, 8)
        return pltpu.make_async_copy(
            obufs.at[b], out_hbm.at[pl.ds(st, CHUNK)], osems.at[b])

    pltpu.sync_copy(
        x_hbm.at[pl.ds(pl.multiple_of(wid * NCHUNK, 8), BLK)],
        idxb_v.at[0])
    idx_block_descr(1).start()
    for c in range(NBUF - 1):
        gather(c)

    def chunk_body(c, carry):
        b = lax.rem(c, NBUF)
        jc = lax.rem(c, CPB)
        kb = lax.div(c, CPB)

        @pl.when(jnp.logical_and(jc == 0,
                                 jnp.logical_and(c > 0, kb + 1 < NBLK)))
        def _():
            idx_block_descr(kb + 1).start()

        @pl.when(c + NBUF - 1 < NCHUNK)
        def _():
            @pl.when(lax.rem(c + NBUF - 1, CPB) == 0)
            def _():
                idx_block_descr(kb + 1).wait()
            gather(c + NBUF - 1)

        @pl.when(c >= NBUF)
        def _():
            store_descr(c - NBUF).wait()

        p0 = pl.multiple_of(lax.rem(c * CHUNK, MAXLEN), 8)
        pltpu.sync_copy(pose_sh.at[pl.ds(p0, CHUNK)], obufs.at[b])

        gather_wait(c)
        pltpu.sync_copy(ibufs.at[b], obufs.at[b].at[iota_v.at[0]], add=True)

        store_descr(c).start()
        return carry

    lax.fori_loop(0, NCHUNK, chunk_body, 0)

    for k in range(NBUF):
        store_descr(NCHUNK - NBUF + k).wait()


@jax.jit
def kernel(x, token_table, pos_table):
    x_flat = x.reshape(ROWS // CHUNK, CHUNK)
    tok128 = jnp.pad(token_table, ((0, 0), (0, PAD - EMBED)))
    pose = jnp.pad(jnp.concatenate([pos_table, pos_table], axis=0),
                   ((0, 0), (0, PAD - EMBED)))
    iota = jnp.arange(CHUNK, dtype=jnp.int32).reshape(1, CHUNK)

    mesh = plsc.VectorSubcoreMesh(
        core_axis_name="c", subcore_axis_name="s", num_cores=NC, num_subcores=NS
    )
    out = pl.kernel(
        _emb_body,
        out_type=jax.ShapeDtypeStruct((ROWS, PAD), jnp.float32),
        mesh=mesh,
        scratch_types=[
            pltpu.VMEM((2, BLK, CHUNK), jnp.int32),
            pltpu.VMEM((1, CHUNK), jnp.int32),
            pltpu.VMEM((NBUF, CHUNK, PAD), jnp.float32),
            pltpu.VMEM_SHARED((2 * MAXLEN, PAD), jnp.float32),
            pltpu.VMEM_SHARED((NS, NBUF, CHUNK, PAD), jnp.float32),
            pltpu.SemaphoreType.DMA((2,)),
            pltpu.SemaphoreType.DMA((NBUF,)),
            pltpu.SemaphoreType.DMA((NBUF,)),
        ],
    )(x_flat, tok128, pose, iota)
    return out[:, :EMBED].reshape(BATCH, MAXLEN, EMBED)

# --- scband reference (transcript-rebuilt; emitter-appended) ---
"""Pipeline reference for scband-token-and-position-embedding-66898410602634 (READ-ONLY COPY).

The authoritative reference and input builder live on the scoring server;
editing this copy changes nothing except your own understanding.
"""

import jax, jax.numpy as jnp
import numpy as np

VOCAB = 1000000
MAXLEN = 200
EMBED_DIM = 64
BATCH = 4096

def setup_inputs(seed: int = 0) -> dict:
    key = jax.random.key(seed)
    k1, k2, k3 = jax.random.split(key, 3)
    x = jax.random.randint(k1, (BATCH, MAXLEN), 0, VOCAB, dtype=jnp.int64 if jax.config.jax_enable_x64 else jnp.int32).astype(jnp.int32)
    # learned params: glove-initialized token embedding table and positional embedding table
    token_table = jax.random.normal(k2, (VOCAB, EMBED_DIM), dtype=jnp.float32) * 0.02
    pos_table = jax.random.normal(k3, (MAXLEN, EMBED_DIM), dtype=jnp.float32) * 0.02
    return {"x": x, "token_table": token_table, "pos_table": pos_table}

def reference(x, token_table, pos_table):
    # maxlen = shape(x)[-1]; positions = range(maxlen)
    maxlen = x.shape[-1]
    positions = jnp.arange(maxlen)
    pos_emb = jnp.take(pos_table, positions, axis=0)          # [L, D]
    tok_emb = jnp.take(token_table, x, axis=0)                # [B, L, D] gather
    return tok_emb + pos_emb[None, :, :]

if __name__ == "__main__":
    import jax
    _d = setup_inputs()
    print(jax.jit(kernel)(*tuple(_d.values())))

</pallas_src>

<mosaic_0001>
#map = affine_map<(d0, d1) -> (0, 0)>
module attributes {stable_mosaic.version = 14 : i64} {
  func.func @_emb_body(%arg0: i32, %arg1: i32, %arg2: memref<6400x128xi32, #tpu.memory_space<hbm>>, %arg3: memref<1000000x128xf32, #tpu.memory_space<hbm>>, %arg4: memref<400x128xf32, #tpu.memory_space<hbm>>, %arg5: memref<1x128xi32, #tpu.memory_space<hbm>>, %arg6: memref<819200x128xf32, #tpu.memory_space<hbm>>, %arg7: memref<2x8x128xi32, #tpu.memory_space<vmem>>, %arg8: memref<1x128xi32, #tpu.memory_space<vmem>>, %arg9: memref<3x128x128xf32, #tpu.memory_space<vmem>>, %arg10: memref<400x128xf32, #tpu.memory_space<vmem_shared>>, %arg11: memref<16x3x128x128xf32, #tpu.memory_space<vmem_shared>>, %arg12: memref<2x!tpu.dma_semaphore, #tpu.memory_space<semaphore_mem>>, %arg13: memref<3x!tpu.dma_semaphore, #tpu.memory_space<semaphore_mem>>, %arg14: memref<3x!tpu.dma_semaphore, #tpu.memory_space<semaphore_mem>>) attributes {dimension_semantics = [#tpu.dimension_semantics<core_parallel>, #tpu.dimension_semantics<subcore_parallel>], iteration_bounds = array<i64: 2, 16>, scalar_prefetch = 0 : i64, scratch_operands = 8 : i64, tpu.core_type = #tpu.core_type<sc_vector_subcore>, window_params = [{transform_indices = #map}, {transform_indices = #map}, {transform_indices = #map}, {transform_indices = #map}, {transform_indices = #map}]} {
    %mul3A = arith.constant 2 : i32
    %mul3A_0 = arith.muli %arg1, %mul3A : i32
    %add3A = arith.addi %mul3A_0, %arg0 : i32
    %mul3A_1 = arith.constant 25600 : i32
    %mul3A_2 = arith.muli %add3A, %mul3A_1 : i32
    %eq3A = arith.constant 0 : i32
    %eq3A_3 = arith.cmpi eq, %arg1, %eq3A : i32
    %convert_element_type3A = arith.extui %eq3A_3 : i1 to i32
    %cond3A = arith.constant 0 : i32
    %cond3A_4 = arith.cmpi ne, %convert_element_type3A, %cond3A : i32
    scf.if %cond3A_4 {
      "tpu.region"() ({
        %run_scoped3A_141 = tpu.sem_alloc : memref<!tpu.dma_semaphore, #tpu.memory_space<semaphore_mem>>
        tpu.enqueue_dma source(%arg4 : memref<400x128xf32, #tpu.memory_space<hbm>>) target(%arg10 : memref<400x128xf32, #tpu.memory_space<vmem_shared>>) target_semaphore(%run_scoped3A_141 : memref<!tpu.dma_semaphore, #tpu.memory_space<semaphore_mem>>)
        tpu.wait_dma2 semaphore(%run_scoped3A_141 : memref<!tpu.dma_semaphore, #tpu.memory_space<semaphore_mem>>) src(%arg4 : memref<400x128xf32, #tpu.memory_space<hbm>>) dst(%arg10 : memref<400x128xf32, #tpu.memory_space<vmem_shared>>)
        tpu.yield
      }) : () -> ()
    } else {
    }
    "tpu.region"() ({
      %run_scoped3A_141 = tpu.sem_alloc : memref<!tpu.dma_semaphore, #tpu.memory_space<semaphore_mem>>
      tpu.enqueue_dma source(%arg5 : memref<1x128xi32, #tpu.memory_space<hbm>>) target(%arg8 : memref<1x128xi32, #tpu.memory_space<vmem>>) target_semaphore(%run_scoped3A_141 : memref<!tpu.dma_semaphore, #tpu.memory_space<semaphore_mem>>)
      tpu.wait_dma2 semaphore(%run_scoped3A_141 : memref<!tpu.dma_semaphore, #tpu.memory_space<semaphore_mem>>) src(%arg5 : memref<1x128xi32, #tpu.memory_space<hbm>>) dst(%arg8 : memref<1x128xi32, #tpu.memory_space<vmem>>)
      tpu.yield
    }) : () -> ()
    %barrier3A = arith.constant 0 : index
    tpu.barrier barrier_id(%barrier3A)
    %mul3A_5 = arith.constant 200 : i32
    %mul3A_6 = arith.muli %add3A, %mul3A_5 : i32
    %multiple_of3A = tpu.assume_multiple %mul3A_6, 8 : i32
    %run_scoped3A = arith.constant 0 : i32
    "tpu.region"() ({
      %run_scoped3A_141 = tpu.sem_alloc : memref<!tpu.dma_semaphore, #tpu.memory_space<semaphore_mem>>
      %dma_start3A_142 = arith.constant 0 : i32
      %dma_start3A_143 = arith.constant 0 : i32
      %dma_start3A_144 = tpu.memref_slice %arg7[%run_scoped3A, %dma_start3A_142, %dma_start3A_143] : memref<2x8x128xi32, #tpu.memory_space<vmem>> -> memref<1x8x128xi32, #tpu.memory_space<vmem>>
      %dma_start3A_145 = tpu.memref_squeeze %dma_start3A_144 : memref<1x8x128xi32, #tpu.memory_space<vmem>> -> memref<8x128xi32, #tpu.memory_space<vmem>>
      %dma_start3A_146 = arith.constant 0 : i32
      %dma_start3A_147 = tpu.memref_slice %arg2[%multiple_of3A, %dma_start3A_146] : memref<6400x128xi32, #tpu.memory_space<hbm>> -> memref<8x128xi32, #tpu.memory_space<hbm>>
      %dma_start3A_148 = arith.constant 0 : i32
      %dma_start3A_149 = arith.constant 0 : i32
      %dma_start3A_150 = tpu.memref_slice %arg7[%run_scoped3A, %dma_start3A_148, %dma_start3A_149] : memref<2x8x128xi32, #tpu.memory_space<vmem>> -> memref<1x8x128xi32, #tpu.memory_space<vmem>>
      %dma_start3A_151 = tpu.memref_squeeze %dma_start3A_150 : memref<1x8x128xi32, #tpu.memory_space<vmem>> -> memref<8x128xi32, #tpu.memory_space<vmem>>
      %dma_start3A_152 = arith.constant 0 : i32
      %dma_start3A_153 = tpu.memref_slice %arg2[%multiple_of3A, %dma_start3A_152] : memref<6400x128xi32, #tpu.memory_space<hbm>> -> memref<8x128xi32, #tpu.memory_space<hbm>>
      tpu.enqueue_dma source(%dma_start3A_153 : memref<8x128xi32, #tpu.memory_space<hbm>>) target(%dma_start3A_151 : memref<8x128xi32, #tpu.memory_space<vmem>>) target_semaphore(%run_scoped3A_141 : memref<!tpu.dma_semaphore, #tpu.memory_space<semaphore_mem>>)
      %dma_wait3A_154 = arith.constant 0 : i32
      %dma_wait3A_155 = arith.constant 0 : i32
      %dma_wait3A_156 = tpu.memref_slice %arg7[%run_scoped3A, %dma_wait3A_154, %dma_wait3A_155] : memref<2x8x128xi32, #tpu.memory_space<vmem>> -> memref<1x8x128xi32, #tpu.memory_space<vmem>>
      %dma_wait3A_157 = tpu.memref_squeeze %dma_wait3A_156 : memref<1x8x128xi32, #tpu.memory_space<vmem>> -> memref<8x128xi32, #tpu.memory_space<vmem>>
      %dma_wait3A_158 = arith.constant 0 : i32
      %dma_wait3A_159 = tpu.memref_slice %arg2[%multiple_of3A, %dma_wait3A_158] : memref<6400x128xi32, #tpu.memory_space<hbm>> -> memref<8x128xi32, #tpu.memory_space<hbm>>
      %dma_wait3A_160 = arith.constant 0 : i32
      %dma_wait3A_161 = arith.constant 0 : i32
      %dma_wait3A_162 = tpu.memref_slice %arg7[%run_scoped3A, %dma_wait3A_160, %dma_wait3A_161] : memref<2x8x128xi32, #tpu.memory_space<vmem>> -> memref<1x8x128xi32, #tpu.memory_space<vmem>>
      %dma_wait3A_163 = tpu.memref_squeeze %dma_wait3A_162 : memref<1x8x128xi32, #tpu.memory_space<vmem>> -> memref<8x128xi32, #tpu.memory_space<vmem>>
      %dma_wait3A_164 = arith.constant 0 : i32
      %dma_wait3A_165 = tpu.memref_slice %arg2[%multiple_of3A, %dma_wait3A_164] : memref<6400x128xi32, #tpu.memory_space<hbm>> -> memref<8x128xi32, #tpu.memory_space<hbm>>
      tpu.wait_dma2 semaphore(%run_scoped3A_141 : memref<!tpu.dma_semaphore, #tpu.memory_space<semaphore_mem>>) src(%dma_wait3A_165 : memref<8x128xi32, #tpu.memory_space<hbm>>) dst(%dma_wait3A_163 : memref<8x128xi32, #tpu.memory_space<vmem>>)
      tpu.yield
    }) : () -> ()
    %mul3A_7 = arith.constant 200 : i32
    %mul3A_8 = arith.muli %add3A, %mul3A_7 : i32
    %add3A_9 = arith.constant 8 : i32
    %add3A_10 = arith.addi %mul3A_8, %add3A_9 : i32
    %multiple_of3A_11 = tpu.assume_multiple %add3A_10, 8 : i32
    %rem3A = arith.constant 1 : i32
    %rem3A_12 = arith.constant 2 : i32
    %rem3A_13 = arith.remsi %rem3A, %rem3A_12 : i32
    %dma_start3A = arith.constant 0 : i32
    %dma_start3A_14 = arith.constant 0 : i32
    %dma_start3A_15 = tpu.memref_slice %arg7[%rem3A_13, %dma_start3A, %dma_start3A_14] : memref<2x8x128xi32, #tpu.memory_space<vmem>> -> memref<1x8x128xi32, #tpu.memory_space<vmem>>
    %dma_start3A_16 = tpu.memref_squeeze %dma_start3A_15 : memref<1x8x128xi32, #tpu.memory_space<vmem>> -> memref<8x128xi32, #tpu.memory_space<vmem>>
    %dma_start3A_17 = arith.constant 0 : i32
    %dma_start3A_18 = tpu.memref_slice %arg2[%multiple_of3A_11, %dma_start3A_17] : memref<6400x128xi32, #tpu.memory_space<hbm>> -> memref<8x128xi32, #tpu.memory_space<hbm>>
    %dma_start3A_19 = tpu.memref_slice %arg12[%rem3A_13] : memref<2x!tpu.dma_semaphore, #tpu.memory_space<semaphore_mem>> -> memref<1x!tpu.dma_semaphore, #tpu.memory_space<semaphore_mem>>
    %dma_start3A_20 = tpu.memref_squeeze %dma_start3A_19 : memref<1x!tpu.dma_semaphore, #tpu.memory_space<semaphore_mem>> -> memref<!tpu.dma_semaphore, #tpu.memory_space<semaphore_mem>>
    %dma_start3A_21 = arith.constant 0 : i32
    %dma_start3A_22 = arith.constant 0 : i32
    %dma_start3A_23 = tpu.memref_slice %arg7[%rem3A_13, %dma_start3A_21, %dma_start3A_22] : memref<2x8x128xi32, #tpu.memory_space<vmem>> -> memref<1x8x128xi32, #tpu.memory_space<vmem>>
    %dma_start3A_24 = tpu.memref_squeeze %dma_start3A_23 : memref<1x8x128xi32, #tpu.memory_space<vmem>> -> memref<8x128xi32, #tpu.memory_space<vmem>>
    %dma_start3A_25 = arith.constant 0 : i32
    %dma_start3A_26 = tpu.memref_slice %arg2[%multiple_of3A_11, %dma_start3A_25] : memref<6400x128xi32, #tpu.memory_space<hbm>> -> memref<8x128xi32, #tpu.memory_space<hbm>>
    tpu.enqueue_dma source(%dma_start3A_26 : memref<8x128xi32, #tpu.memory_space<hbm>>) target(%dma_start3A_24 : memref<8x128xi32, #tpu.memory_space<vmem>>) target_semaphore(%dma_start3A_20 : memref<!tpu.dma_semaphore, #tpu.memory_space<semaphore_mem>>)
    %rem3A_27 = arith.constant 0 : i32
    %rem3A_28 = arith.constant 3 : i32
    %rem3A_29 = arith.remsi %rem3A_27, %rem3A_28 : i32
    %div3A = arith.constant 0 : i32
    %div3A_30 = arith.constant 8 : i32
    %div3A_31 = arith.divsi %div3A, %div3A_30 : i32
    %rem3A_32 = arith.constant 2 : i32
    %rem3A_33 = arith.remsi %div3A_31, %rem3A_32 : i32
    %rem3A_34 = arith.constant 0 : i32
    %rem3A_35 = arith.constant 8 : i32
    %rem3A_36 = arith.remsi %rem3A_34, %rem3A_35 : i32
    %dma_start3A_37 = arith.constant 0 : i32
    %dma_start3A_38 = arith.constant 0 : i32
    %dma_start3A_39 = tpu.memref_slice %arg9[%rem3A_29, %dma_start3A_37, %dma_start3A_38] : memref<3x128x128xf32, #tpu.memory_space<vmem>> -> memref<1x128x128xf32, #tpu.memory_space<vmem>>
    %dma_start3A_40 = tpu.memref_squeeze %dma_start3A_39 : memref<1x128x128xf32, #tpu.memory_space<vmem>> -> memref<128x128xf32, #tpu.memory_space<vmem>>
    %dma_start3A_41 = arith.constant 0 : i32
    %dma_start3A_42 = arith.constant 0 : i32
    %dma_start3A_43 = tpu.memref_slice %arg7[%rem3A_33, %dma_start3A_41, %dma_start3A_42] : memref<2x8x128xi32, #tpu.memory_space<vmem>> -> memref<1x8x128xi32, #tpu.memory_space<vmem>>
    %dma_start3A_44 = tpu.memref_squeeze %dma_start3A_43 : memref<1x8x128xi32, #tpu.memory_space<vmem>> -> memref<8x128xi32, #tpu.memory_space<vmem>>
    %dma_start3A_45 = arith.constant 0 : i32
    %dma_start3A_46 = tpu.memref_slice %dma_start3A_44[%rem3A_36, %dma_start3A_45] : memref<8x128xi32, #tpu.memory_space<vmem>> -> memref<1x128xi32, #tpu.memory_space<vmem>>
    %dma_start3A_47 = tpu.memref_squeeze %dma_start3A_46 : memref<1x128xi32, #tpu.memory_space<vmem>> -> memref<128xi32, #tpu.memory_space<vmem>>
    %dma_start3A_48 = arith.constant 0 : i32
    %dma_start3A_49 = arith.constant 0 : i32
    %dma_start3A_50 = tpu.memref_slice %arg3[%dma_start3A_48, %dma_start3A_49] : memref<1000000x128xf32, #tpu.memory_space<hbm>> -> memref<1000000x128xf32, #tpu.memory_space<hbm>>
    %dma_start3A_51 = tpu.memref_slice %arg13[%rem3A_29] : memref<3x!tpu.dma_semaphore, #tpu.memory_space<semaphore_mem>> -> memref<1x!tpu.dma_semaphore, #tpu.memory_space<semaphore_mem>>
    %dma_start3A_52 = tpu.memref_squeeze %dma_start3A_51 : memref<1x!tpu.dma_semaphore, #tpu.memory_space<semaphore_mem>> -> memref<!tpu.dma_semaphore, #tpu.memory_space<semaphore_mem>>
    tpu.enqueue_indirect_dma source(%dma_start3A_50 : memref<1000000x128xf32, #tpu.memory_space<hbm>>) target(%dma_start3A_40 : memref<128x128xf32, #tpu.memory_space<vmem>>) offsets(%dma_start3A_47 : memref<128xi32, #tpu.memory_space<vmem>>) semaphore(%dma_start3A_52 : memref<!tpu.dma_semaphore, #tpu.memory_space<semaphore_mem>>)
    %rem3A_53 = arith.constant 1 : i32
    %rem3A_54 = arith.constant 3 : i32
    %rem3A_55 = arith.remsi %rem3A_53, %rem3A_54 : i32
    %div3A_56 = arith.constant 1 : i32
    %div3A_57 = arith.constant 8 : i32
    %div3A_58 = arith.divsi %div3A_56, %div3A_57 : i32
    %rem3A_59 = arith.constant 2 : i32
    %rem3A_60 = arith.remsi %div3A_58, %rem3A_59 : i32
    %rem3A_61 = arith.constant 1 : i32
    %rem3A_62 = arith.constant 8 : i32
    %rem3A_63 = arith.remsi %rem3A_61, %rem3A_62 : i32
    %dma_start3A_64 = arith.constant 0 : i32
    %dma_start3A_65 = arith.constant 0 : i32
    %dma_start3A_66 = tpu.memref_slice %arg9[%rem3A_55, %dma_start3A_64, %dma_start3A_65] : memref<3x128x128xf32, #tpu.memory_space<vmem>> -> memref<1x128x128xf32, #tpu.memory_space<vmem>>
    %dma_start3A_67 = tpu.memref_squeeze %dma_start3A_66 : memref<1x128x128xf32, #tpu.memory_space<vmem>> -> memref<128x128xf32, #tpu.memory_space<vmem>>
    %dma_start3A_68 = arith.constant 0 : i32
    %dma_start3A_69 = arith.constant 0 : i32
    %dma_start3A_70 = tpu.memref_slice %arg7[%rem3A_60, %dma_start3A_68, %dma_start3A_69] : memref<2x8x128xi32, #tpu.memory_space<vmem>> -> memref<1x8x128xi32, #tpu.memory_space<vmem>>
    %dma_start3A_71 = tpu.memref_squeeze %dma_start3A_70 : memref<1x8x128xi32, #tpu.memory_space<vmem>> -> memref<8x128xi32, #tpu.memory_space<vmem>>
    %dma_start3A_72 = arith.constant 0 : i32
    %dma_start3A_73 = tpu.memref_slice %dma_start3A_71[%rem3A_63, %dma_start3A_72] : memref<8x128xi32, #tpu.memory_space<vmem>> -> memref<1x128xi32, #tpu.memory_space<vmem>>
    %dma_start3A_74 = tpu.memref_squeeze %dma_start3A_73 : memref<1x128xi32, #tpu.memory_space<vmem>> -> memref<128xi32, #tpu.memory_space<vmem>>
    %dma_start3A_75 = arith.constant 0 : i32
    %dma_start3A_76 = arith.constant 0 : i32
    %dma_start3A_77 = tpu.memref_slice %arg3[%dma_start3A_75, %dma_start3A_76] : memref<1000000x128xf32, #tpu.memory_space<hbm>> -> memref<1000000x128xf32, #tpu.memory_space<hbm>>
    %dma_start3A_78 = tpu.memref_slice %arg13[%rem3A_55] : memref<3x!tpu.dma_semaphore, #tpu.memory_space<semaphore_mem>> -> memref<1x!tpu.dma_semaphore, #tpu.memory_space<semaphore_mem>>
    %dma_start3A_79 = tpu.memref_squeeze %dma_start3A_78 : memref<1x!tpu.dma_semaphore, #tpu.memory_space<semaphore_mem>> -> memref<!tpu.dma_semaphore, #tpu.memory_space<semaphore_mem>>
    tpu.enqueue_indirect_dma source(%dma_start3A_77 : memref<1000000x128xf32, #tpu.memory_space<hbm>>) target(%dma_start3A_67 : memref<128x128xf32, #tpu.memory_space<vmem>>) offsets(%dma_start3A_74 : memref<128xi32, #tpu.memory_space<vmem>>) semaphore(%dma_start3A_79 : memref<!tpu.dma_semaphore, #tpu.memory_space<semaphore_mem>>)
    %scan3A = arith.constant 0 : i32
    %scan3A_80 = arith.constant 0 : i32
    %scan3A_81 = arith.constant 200 : i32
    %scan3A_82 = arith.addi %scan3A_80, %scan3A_81 : i32
    %scan3A_83 = arith.constant 1 : i32
    scf.for %scan3A_141 = %scan3A_80 to %scan3A_82 step %scan3A_83  : i32 {
      %rem3A_142 = arith.constant 3 : i32
      %rem3A_143 = arith.remsi %scan3A_141, %rem3A_142 : i32
      %rem3A_144 = arith.constant 8 : i32
      %rem3A_145 = arith.remsi %scan3A_141, %rem3A_144 : i32
      %div3A_146 = arith.constant 8 : i32
      %div3A_147 = arith.divsi %scan3A_141, %div3A_146 : i32
      %eq3A_148 = arith.constant 0 : i32
      %eq3A_149 = arith.cmpi eq, %rem3A_145, %eq3A_148 : i32
      %gt3A = arith.constant 0 : i32
      %gt3A_150 = arith.cmpi sgt, %scan3A_141, %gt3A : i32
      %add3A_151 = arith.constant 1 : i32
      %add3A_152 = arith.addi %div3A_147, %add3A_151 : i32
      %lt3A = arith.constant 25 : i32
      %lt3A_153 = arith.cmpi slt, %add3A_152, %lt3A : i32
      %and3A = arith.andi %gt3A_150, %lt3A_153 : i1
      %and3A_154 = arith.andi %eq3A_149, %and3A : i1
      %convert_element_type3A_155 = arith.extui %and3A_154 : i1 to i32
      %cond3A_156 = arith.constant 0 : i32
      %cond3A_157 = arith.cmpi ne, %convert_element_type3A_155, %cond3A_156 : i32
      scf.if %cond3A_157 {
        %add3A_219 = arith.constant 1 : i32
        %add3A_220 = arith.addi %div3A_147, %add3A_219 : i32
        %mul3A_221 = arith.constant 200 : i32
        %mul3A_222 = arith.muli %add3A, %mul3A_221 : i32
        %mul3A_223 = arith.constant 8 : i32
        %mul3A_224 = arith.muli %add3A_220, %mul3A_223 : i32
        %add3A_225 = arith.addi %mul3A_222, %mul3A_224 : i32
        %multiple_of3A_226 = tpu.assume_multiple %add3A_225, 8 : i32
        %rem3A_227 = arith.constant 2 : i32
        %rem3A_228 = arith.remsi %add3A_220, %rem3A_227 : i32
        %dma_start3A_229 = arith.constant 0 : i32
        %dma_start3A_230 = arith.constant 0 : i32
        %dma_start3A_231 = tpu.memref_slice %arg7[%rem3A_228, %dma_start3A_229, %dma_start3A_230] : memref<2x8x128xi32, #tpu.memory_space<vmem>> -> memref<1x8x128xi32, #tpu.memory_space<vmem>>
        %dma_start3A_232 = tpu.memref_squeeze %dma_start3A_231 : memref<1x8x128xi32, #tpu.memory_space<vmem>> -> memref<8x128xi32, #tpu.memory_space<vmem>>
        %dma_start3A_233 = arith.constant 0 : i32
        %dma_start3A_234 = tpu.memref_slice %arg2[%multiple_of3A_226, %dma_start3A_233] : memref<6400x128xi32, #tpu.memory_space<hbm>> -> memref<8x128xi32, #tpu.memory_space<hbm>>
        %dma_start3A_235 = tpu.memref_slice %arg12[%rem3A_228] : memref<2x!tpu.dma_semaphore, #tpu.memory_space<semaphore_mem>> -> memref<1x!tpu.dma_semaphore, #tpu.memory_space<semaphore_mem>>
        %dma_start3A_236 = tpu.memref_squeeze %dma_start3A_235 : memref<1x!tpu.dma_semaphore, #tpu.memory_space<semaphore_mem>> -> memref<!tpu.dma_semaphore, #tpu.memory_space<semaphore_mem>>
        %dma_start3A_237 = arith.constant 0 : i32
        %dma_start3A_238 = arith.constant 0 : i32
        %dma_start3A_239 = tpu.memref_slice %arg7[%rem3A_228, %dma_start3A_237, %dma_start3A_238] : memref<2x8x128xi32, #tpu.memory_space<vmem>> -> memref<1x8x128xi32, #tpu.memory_space<vmem>>
        %dma_start3A_240 = tpu.memref_squeeze %dma_start3A_239 : memref<1x8x128xi32, #tpu.memory_space<vmem>> -> memref<8x128xi32, #tpu.memory_space<vmem>>
        %dma_start3A_241 = arith.constant 0 : i32
        %dma_start3A_242 = tpu.memref_slice %arg2[%multiple_of3A_226, %dma_start3A_241] : memref<6400x128xi32, #tpu.memory_space<hbm>> -> memref<8x128xi32, #tpu.memory_space<hbm>>
        tpu.enqueue_dma source(%dma_start3A_242 : memref<8x128xi32, #tpu.memory_space<hbm>>) target(%dma_start3A_240 : memref<8x128xi32, #tpu.memory_space<vmem>>) target_semaphore(%dma_start3A_236 : memref<!tpu.dma_semaphore, #tpu.memory_space<semaphore_mem>>)
      } else {
      }
      %add3A_158 = arith.constant 3 : i32
      %add3A_159 = arith.addi %scan3A_141, %add3A_158 : i32
      %sub3A = arith.constant 1 : i32
      %sub3A_160 = arith.subi %add3A_159, %sub3A : i32
      %lt3A_161 = arith.constant 200 : i32
      %lt3A_162 = arith.cmpi slt, %sub3A_160, %lt3A_161 : i32
      %convert_element_type3A_163 = arith.extui %lt3A_162 : i1 to i32
      %cond3A_164 = arith.constant 0 : i32
      %cond3A_165 = arith.cmpi ne, %convert_element_type3A_163, %cond3A_164 : i32
      scf.if %cond3A_165 {
        %add3A_219 = arith.constant 3 : i32
        %add3A_220 = arith.addi %scan3A_141, %add3A_219 : i32
        %sub3A_221 = arith.constant 1 : i32
        %sub3A_222 = arith.subi %add3A_220, %sub3A_221 : i32
        %rem3A_223 = arith.constant 8 : i32
        %rem3A_224 = arith.remsi %sub3A_222, %rem3A_223 : i32
        %eq3A_225 = arith.constant 0 : i32
        %eq3A_226 = arith.cmpi eq, %rem3A_224, %eq3A_225 : i32
        %convert_element_type3A_227 = arith.extui %eq3A_226 : i1 to i32
        %cond3A_228 = arith.constant 0 : i32
        %cond3A_229 = arith.cmpi ne, %convert_element_type3A_227, %cond3A_228 : i32
        scf.if %cond3A_229 {
          %add3A_258 = arith.constant 1 : i32
          %add3A_259 = arith.addi %div3A_147, %add3A_258 : i32
          %mul3A_260 = arith.constant 200 : i32
          %mul3A_261 = arith.muli %add3A, %mul3A_260 : i32
          %mul3A_262 = arith.constant 8 : i32
          %mul3A_263 = arith.muli %add3A_259, %mul3A_262 : i32
          %add3A_264 = arith.addi %mul3A_261, %mul3A_263 : i32
          %multiple_of3A_265 = tpu.assume_multiple %add3A_264, 8 : i32
          %rem3A_266 = arith.constant 2 : i32
          %rem3A_267 = arith.remsi %add3A_259, %rem3A_266 : i32
          %dma_wait3A_268 = arith.constant 0 : i32
          %dma_wait3A_269 = arith.constant 0 : i32
          %dma_wait3A_270 = tpu.memref_slice %arg7[%rem3A_267, %dma_wait3A_268, %dma_wait3A_269] : memref<2x8x128xi32, #tpu.memory_space<vmem>> -> memref<1x8x128xi32, #tpu.memory_space<vmem>>
          %dma_wait3A_271 = tpu.memref_squeeze %dma_wait3A_270 : memref<1x8x128xi32, #tpu.memory_space<vmem>> -> memref<8x128xi32, #tpu.memory_space<vmem>>
          %dma_wait3A_272 = arith.constant 0 : i32
          %dma_wait3A_273 = tpu.memref_slice %arg2[%multiple_of3A_265, %dma_wait3A_272] : memref<6400x128xi32, #tpu.memory_space<hbm>> -> memref<8x128xi32, #tpu.memory_space<hbm>>
          %dma_wait3A_274 = tpu.memref_slice %arg12[%rem3A_267] : memref<2x!tpu.dma_semaphore, #tpu.memory_space<semaphore_mem>> -> memref<1x!tpu.dma_semaphore, #tpu.memory_space<semaphore_mem>>
          %dma_wait3A_275 = tpu.memref_squeeze %dma_wait3A_274 : memref<1x!tpu.dma_semaphore, #tpu.memory_space<semaphore_mem>> -> memref<!tpu.dma_semaphore, #tpu.memory_space<semaphore_mem>>
          %dma_wait3A_276 = arith.constant 0 : i32
          %dma_wait3A_277 = arith.constant 0 : i32
          %dma_wait3A_278 = tpu.memref_slice %arg7[%rem3A_267, %dma_wait3A_276, %dma_wait3A_277] : memref<2x8x128xi32, #tpu.memory_space<vmem>> -> memref<1x8x128xi32, #tpu.memory_space<vmem>>
          %dma_wait3A_279 = tpu.memref_squeeze %dma_wait3A_278 : memref<1x8x128xi32, #tpu.memory_space<vmem>> -> memref<8x128xi32, #tpu.memory_space<vmem>>
          %dma_wait3A_280 = arith.constant 0 : i32
          %dma_wait3A_281 = tpu.memref_slice %arg2[%multiple_of3A_265, %dma_wait3A_280] : memref<6400x128xi32, #tpu.memory_space<hbm>> -> memref<8x128xi32, #tpu.memory_space<hbm>>
          tpu.wait_dma2 semaphore(%dma_wait3A_275 : memref<!tpu.dma_semaphore, #tpu.memory_space<semaphore_mem>>) src(%dma_wait3A_281 : memref<8x128xi32, #tpu.memory_space<hbm>>) dst(%dma_wait3A_279 : memref<8x128xi32, #tpu.memory_space<vmem>>)
        } else {
        }
        %add3A_230 = arith.constant 3 : i32
        %add3A_231 = arith.addi %scan3A_141, %add3A_230 : i32
        %sub3A_232 = arith.constant 1 : i32
        %sub3A_233 = arith.subi %add3A_231, %sub3A_232 : i32
        %rem3A_234 = arith.constant 3 : i32
        %rem3A_235 = arith.remsi %sub3A_233, %rem3A_234 : i32
        %div3A_236 = arith.constant 8 : i32
        %div3A_237 = arith.divsi %sub3A_233, %div3A_236 : i32
        %rem3A_238 = arith.constant 2 : i32
        %rem3A_239 = arith.remsi %div3A_237, %rem3A_238 : i32
        %rem3A_240 = arith.constant 8 : i32
        %rem3A_241 = arith.remsi %sub3A_233, %rem3A_240 : i32
        %dma_start3A_242 = arith.constant 0 : i32
        %dma_start3A_243 = arith.constant 0 : i32
        %dma_start3A_244 = tpu.memref_slice %arg9[%rem3A_235, %dma_start3A_242, %dma_start3A_243] : memref<3x128x128xf32, #tpu.memory_space<vmem>> -> memref<1x128x128xf32, #tpu.memory_space<vmem>>
        %dma_start3A_245 = tpu.memref_squeeze %dma_start3A_244 : memref<1x128x128xf32, #tpu.memory_space<vmem>> -> memref<128x128xf32, #tpu.memory_space<vmem>>
        %dma_start3A_246 = arith.constant 0 : i32
        %dma_start3A_247 = arith.constant 0 : i32
        %dma_start3A_248 = tpu.memref_slice %arg7[%rem3A_239, %dma_start3A_246, %dma_start3A_247] : memref<2x8x128xi32, #tpu.memory_space<vmem>> -> memref<1x8x128xi32, #tpu.memory_space<vmem>>
        %dma_start3A_249 = tpu.memref_squeeze %dma_start3A_248 : memref<1x8x128xi32, #tpu.memory_space<vmem>> -> memref<8x128xi32, #tpu.memory_space<vmem>>
        %dma_start3A_250 = arith.constant 0 : i32
        %dma_start3A_251 = tpu.memref_slice %dma_start3A_249[%rem3A_241, %dma_start3A_250] : memref<8x128xi32, #tpu.memory_space<vmem>> -> memref<1x128xi32, #tpu.memory_space<vmem>>
        %dma_start3A_252 = tpu.memref_squeeze %dma_start3A_251 : memref<1x128xi32, #tpu.memory_space<vmem>> -> memref<128xi32, #tpu.memory_space<vmem>>
        %dma_start3A_253 = arith.constant 0 : i32
        %dma_start3A_254 = arith.constant 0 : i32
        %dma_start3A_255 = tpu.memref_slice %arg3[%dma_start3A_253, %dma_start3A_254] : memref<1000000x128xf32, #tpu.memory_space<hbm>> -> memref<1000000x128xf32, #tpu.memory_space<hbm>>
        %dma_start3A_256 = tpu.memref_slice %arg13[%rem3A_235] : memref<3x!tpu.dma_semaphore, #tpu.memory_space<semaphore_mem>> -> memref<1x!tpu.dma_semaphore, #tpu.memory_space<semaphore_mem>>
        %dma_start3A_257 = tpu.memref_squeeze %dma_start3A_256 : memref<1x!tpu.dma_semaphore, #tpu.memory_space<semaphore_mem>> -> memref<!tpu.dma_semaphore, #tpu.memory_space<semaphore_mem>>
        tpu.enqueue_indirect_dma source(%dma_start3A_255 : memref<1000000x128xf32, #tpu.memory_space<hbm>>) target(%dma_start3A_245 : memref<128x128xf32, #tpu.memory_space<vmem>>) offsets(%dma_start3A_252 : memref<128xi32, #tpu.memory_space<vmem>>) semaphore(%dma_start3A_257 : memref<!tpu.dma_semaphore, #tpu.memory_space<semaphore_mem>>)
      } else {
      }
      %ge3A = arith.constant 3 : i32
      %ge3A_166 = arith.cmpi sge, %scan3A_141, %ge3A : i32
      %convert_element_type3A_167 = arith.extui %ge3A_166 : i1 to i32
      %cond3A_168 = arith.constant 0 : i32
      %cond3A_169 = arith.cmpi ne, %convert_element_type3A_167, %cond3A_168 : i32
      scf.if %cond3A_169 {
        %sub3A_219 = arith.constant 3 : i32
        %sub3A_220 = arith.subi %scan3A_141, %sub3A_219 : i32
        %rem3A_221 = arith.constant 3 : i32
        %rem3A_222 = arith.remsi %sub3A_220, %rem3A_221 : i32
        %mul3A_223 = arith.constant 128 : i32
        %mul3A_224 = arith.muli %sub3A_220, %mul3A_223 : i32
        %add3A_225 = arith.addi %mul3A_2, %mul3A_224 : i32
        %multiple_of3A_226 = tpu.assume_multiple %add3A_225, 8 : i32
        %dma_wait3A_227 = tpu.memref_slice %arg14[%rem3A_222] : memref<3x!tpu.dma_semaphore, #tpu.memory_space<semaphore_mem>> -> memref<1x!tpu.dma_semaphore, #tpu.memory_space<semaphore_mem>>
        %dma_wait3A_228 = tpu.memref_squeeze %dma_wait3A_227 : memref<1x!tpu.dma_semaphore, #tpu.memory_space<semaphore_mem>> -> memref<!tpu.dma_semaphore, #tpu.memory_space<semaphore_mem>>
        %dma_wait3A_229 = arith.constant 0 : i32
        %dma_wait3A_230 = tpu.memref_slice %arg6[%multiple_of3A_226, %dma_wait3A_229] : memref<819200x128xf32, #tpu.memory_space<hbm>> -> memref<128x128xf32, #tpu.memory_space<hbm>>
        %dma_wait3A_231 = arith.constant 0 : i32
        %dma_wait3A_232 = arith.constant 0 : i32
        %dma_wait3A_233 = arith.constant 0 : i32
        %dma_wait3A_234 = tpu.memref_slice %arg11[%arg1, %dma_wait3A_231, %dma_wait3A_232, %dma_wait3A_233] : memref<16x3x128x128xf32, #tpu.memory_space<vmem_shared>> -> memref<1x3x128x128xf32, #tpu.memory_space<vmem_shared>>
        %dma_wait3A_235 = tpu.memref_squeeze %dma_wait3A_234 : memref<1x3x128x128xf32, #tpu.memory_space<vmem_shared>> -> memref<3x128x128xf32, #tpu.memory_space<vmem_shared>>
        %dma_wait3A_236 = arith.constant 0 : i32
        %dma_wait3A_237 = arith.constant 0 : i32
        %dma_wait3A_238 = tpu.memref_slice %dma_wait3A_235[%rem3A_222, %dma_wait3A_236, %dma_wait3A_237] : memref<3x128x128xf32, #tpu.memory_space<vmem_shared>> -> memref<1x128x128xf32, #tpu.memory_space<vmem_shared>>
        %dma_wait3A_239 = tpu.memref_squeeze %dma_wait3A_238 : memref<1x128x128xf32, #tpu.memory_space<vmem_shared>> -> memref<128x128xf32, #tpu.memory_space<vmem_shared>>
        tpu.wait_dma2 semaphore(%dma_wait3A_228 : memref<!tpu.dma_semaphore, #tpu.memory_space<semaphore_mem>>) src(%dma_wait3A_239 : memref<128x128xf32, #tpu.memory_space<vmem_shared>>) dst(%dma_wait3A_230 : memref<128x128xf32, #tpu.memory_space<hbm>>)
      } else {
      }
      %mul3A_170 = arith.constant 128 : i32
      %mul3A_171 = arith.muli %scan3A_141, %mul3A_170 : i32
      %rem3A_172 = arith.constant 200 : i32
      %rem3A_173 = arith.remsi %mul3A_171, %rem3A_172 : i32
      %multiple_of3A_174 = tpu.assume_multiple %rem3A_173, 8 : i32
      "tpu.region"() ({
        %run_scoped3A_219 = tpu.sem_alloc : memref<!tpu.dma_semaphore, #tpu.memory_space<semaphore_mem>>
        %dma_start3A_220 = arith.constant 0 : i32
        %dma_start3A_221 = arith.constant 0 : i32
        %dma_start3A_222 = arith.constant 0 : i32
        %dma_start3A_223 = tpu.memref_slice %arg11[%arg1, %dma_start3A_220, %dma_start3A_221, %dma_start3A_222] : memref<16x3x128x128xf32, #tpu.memory_space<vmem_shared>> -> memref<1x3x128x128xf32, #tpu.memory_space<vmem_shared>>
        %dma_start3A_224 = tpu.memref_squeeze %dma_start3A_223 : memref<1x3x128x128xf32, #tpu.memory_space<vmem_shared>> -> memref<3x128x128xf32, #tpu.memory_space<vmem_shared>>
        %dma_start3A_225 = arith.constant 0 : i32
        %dma_start3A_226 = arith.constant 0 : i32
        %dma_start3A_227 = tpu.memref_slice %dma_start3A_224[%rem3A_143, %dma_start3A_225, %dma_start3A_226] : memref<3x128x128xf32, #tpu.memory_space<vmem_shared>> -> memref<1x128x128xf32, #tpu.memory_space<vmem_shared>>
        %dma_start3A_228 = tpu.memref_squeeze %dma_start3A_227 : memref<1x128x128xf32, #tpu.memory_space<vmem_shared>> -> memref<128x128xf32, #tpu.memory_space<vmem_shared>>
        %dma_start3A_229 = arith.constant 0 : i32
        %dma_start3A_230 = tpu.memref_slice %arg10[%multiple_of3A_174, %dma_start3A_229] : memref<400x128xf32, #tpu.memory_space<vmem_shared>> -> memref<128x128xf32, #tpu.memory_space<vmem_shared>>
        tpu.enqueue_dma source(%dma_start3A_230 : memref<128x128xf32, #tpu.memory_space<vmem_shared>>) target(%dma_start3A_228 : memref<128x128xf32, #tpu.memory_space<vmem_shared>>) target_semaphore(%run_scoped3A_219 : memref<!tpu.dma_semaphore, #tpu.memory_space<semaphore_mem>>)
        %dma_wait3A_231 = arith.constant 0 : i32
        %dma_wait3A_232 = arith.constant 0 : i32
        %dma_wait3A_233 = arith.constant 0 : i32
        %dma_wait3A_234 = tpu.memref_slice %arg11[%arg1, %dma_wait3A_231, %dma_wait3A_232, %dma_wait3A_233] : memref<16x3x128x128xf32, #tpu.memory_space<vmem_shared>> -> memref<1x3x128x128xf32, #tpu.memory_space<vmem_shared>>
        %dma_wait3A_235 = tpu.memref_squeeze %dma_wait3A_234 : memref<1x3x128x128xf32, #tpu.memory_space<vmem_shared>> -> memref<3x128x128xf32, #tpu.memory_space<vmem_shared>>
        %dma_wait3A_236 = arith.constant 0 : i32
        %dma_wait3A_237 = arith.constant 0 : i32
        %dma_wait3A_238 = tpu.memref_slice %dma_wait3A_235[%rem3A_143, %dma_wait3A_236, %dma_wait3A_237] : memref<3x128x128xf32, #tpu.memory_space<vmem_shared>> -> memref<1x128x128xf32, #tpu.memory_space<vmem_shared>>
        %dma_wait3A_239 = tpu.memref_squeeze %dma_wait3A_238 : memref<1x128x128xf32, #tpu.memory_space<vmem_shared>> -> memref<128x128xf32, #tpu.memory_space<vmem_shared>>
        %dma_wait3A_240 = arith.constant 0 : i32
        %dma_wait3A_241 = tpu.memref_slice %arg10[%multiple_of3A_174, %dma_wait3A_240] : memref<400x128xf32, #tpu.memory_space<vmem_shared>> -> memref<128x128xf32, #tpu.memory_space<vmem_shared>>
        tpu.wait_dma2 semaphore(%run_scoped3A_219 : memref<!tpu.dma_semaphore, #tpu.memory_space<semaphore_mem>>) src(%dma_wait3A_241 : memref<128x128xf32, #tpu.memory_space<vmem_shared>>) dst(%dma_wait3A_239 : memref<128x128xf32, #tpu.memory_space<vmem_shared>>)
        tpu.yield
      }) : () -> ()
      %rem3A_175 = arith.constant 3 : i32
      %rem3A_176 = arith.remsi %scan3A_141, %rem3A_175 : i32
      %div3A_177 = arith.constant 8 : i32
      %div3A_178 = arith.divsi %scan3A_141, %div3A_177 : i32
      %rem3A_179 = arith.constant 2 : i32
      %rem3A_180 = arith.remsi %div3A_178, %rem3A_179 : i32
      %rem3A_181 = arith.constant 8 : i32
      %rem3A_182 = arith.remsi %scan3A_141, %rem3A_181 : i32
      %dma_wait3A_183 = arith.constant 0 : i32
      %dma_wait3A_184 = arith.constant 0 : i32
      %dma_wait3A_185 = tpu.memref_slice %arg9[%rem3A_176, %dma_wait3A_183, %dma_wait3A_184] : memref<3x128x128xf32, #tpu.memory_space<vmem>> -> memref<1x128x128xf32, #tpu.memory_space<vmem>>
      %dma_wait3A_186 = tpu.memref_squeeze %dma_wait3A_185 : memref<1x128x128xf32, #tpu.memory_space<vmem>> -> memref<128x128xf32, #tpu.memory_space<vmem>>
      %dma_wait3A_187 = arith.constant 0 : i32
      %dma_wait3A_188 = arith.constant 0 : i32
      %dma_wait3A_189 = tpu.memref_slice %arg7[%rem3A_180, %dma_wait3A_187, %dma_wait3A_188] : memref<2x8x128xi32, #tpu.memory_space<vmem>> -> memref<1x8x128xi32, #tpu.memory_space<vmem>>
      %dma_wait3A_190 = tpu.memref_squeeze %dma_wait3A_189 : memref<1x8x128xi32, #tpu.memory_space<vmem>> -> memref<8x128xi32, #tpu.memory_space<vmem>>
      %dma_wait3A_191 = arith.constant 0 : i32
      %dma_wait3A_192 = tpu.memref_slice %dma_wait3A_190[%rem3A_182, %dma_wait3A_191] : memref<8x128xi32, #tpu.memory_space<vmem>> -> memref<1x128xi32, #tpu.memory_space<vmem>>
      %dma_wait3A_193 = tpu.memref_squeeze %dma_wait3A_192 : memref<1x128xi32, #tpu.memory_space<vmem>> -> memref<128xi32, #tpu.memory_space<vmem>>
      %dma_wait3A_194 = arith.constant 0 : i32
      %dma_wait3A_195 = arith.constant 0 : i32
      %dma_wait3A_196 = tpu.memref_slice %arg3[%dma_wait3A_194, %dma_wait3A_195] : memref<1000000x128xf32, #tpu.memory_space<hbm>> -> memref<1000000x128xf32, #tpu.memory_space<hbm>>
      %dma_wait3A_197 = tpu.memref_slice %arg13[%rem3A_176] : memref<3x!tpu.dma_semaphore, #tpu.memory_space<semaphore_mem>> -> memref<1x!tpu.dma_semaphore, #tpu.memory_space<semaphore_mem>>
      %dma_wait3A_198 = tpu.memref_squeeze %dma_wait3A_197 : memref<1x!tpu.dma_semaphore, #tpu.memory_space<semaphore_mem>> -> memref<!tpu.dma_semaphore, #tpu.memory_space<semaphore_mem>>
      tpu.wait_indirect_dma semaphore(%dma_wait3A_198 : memref<!tpu.dma_semaphore, #tpu.memory_space<semaphore_mem>>) src(%dma_wait3A_196 : memref<1000000x128xf32, #tpu.memory_space<hbm>>) dst(%dma_wait3A_186 : memref<128x128xf32, #tpu.memory_space<vmem>>)
      %run_scoped3A_199 = arith.constant 0 : i32
      "tpu.region"() ({
        %run_scoped3A_219 = tpu.sem_alloc : memref<!tpu.dma_semaphore, #tpu.memory_space<semaphore_mem>>
        %dma_start3A_220 = arith.constant 0 : i32
        %dma_start3A_221 = arith.constant 0 : i32
        %dma_start3A_222 = tpu.memref_slice %arg9[%rem3A_143, %dma_start3A_220, %dma_start3A_221] : memref<3x128x128xf32, #tpu.memory_space<vmem>> -> memref<1x128x128xf32, #tpu.memory_space<vmem>>
        %dma_start3A_223 = tpu.memref_squeeze %dma_start3A_222 : memref<1x128x128xf32, #tpu.memory_space<vmem>> -> memref<128x128xf32, #tpu.memory_space<vmem>>
        %dma_start3A_224 = arith.constant 0 : i32
        %dma_start3A_225 = tpu.memref_slice %arg8[%run_scoped3A_199, %dma_start3A_224] : memref<1x128xi32, #tpu.memory_space<vmem>> -> memref<1x128xi32, #tpu.memory_space<vmem>>
        %dma_start3A_226 = tpu.memref_squeeze %dma_start3A_225 : memref<1x128xi32, #tpu.memory_space<vmem>> -> memref<128xi32, #tpu.memory_space<vmem>>
        %dma_start3A_227 = arith.constant 0 : i32
        %dma_start3A_228 = arith.constant 0 : i32
        %dma_start3A_229 = arith.constant 0 : i32
        %dma_start3A_230 = tpu.memref_slice %arg11[%arg1, %dma_start3A_227, %dma_start3A_228, %dma_start3A_229] : memref<16x3x128x128xf32, #tpu.memory_space<vmem_shared>> -> memref<1x3x128x128xf32, #tpu.memory_space<vmem_shared>>
        %dma_start3A_231 = tpu.memref_squeeze %dma_start3A_230 : memref<1x3x128x128xf32, #tpu.memory_space<vmem_shared>> -> memref<3x128x128xf32, #tpu.memory_space<vmem_shared>>
        %dma_start3A_232 = arith.constant 0 : i32
        %dma_start3A_233 = arith.constant 0 : i32
        %dma_start3A_234 = tpu.memref_slice %dma_start3A_231[%rem3A_143, %dma_start3A_232, %dma_start3A_233] : memref<3x128x128xf32, #tpu.memory_space<vmem_shared>> -> memref<1x128x128xf32, #tpu.memory_space<vmem_shared>>
        %dma_start3A_235 = tpu.memref_squeeze %dma_start3A_234 : memref<1x128x128xf32, #tpu.memory_space<vmem_shared>> -> memref<128x128xf32, #tpu.memory_space<vmem_shared>>
        %dma_start3A_236 = arith.constant 0 : i32
        %dma_start3A_237 = arith.constant 0 : i32
        %dma_start3A_238 = tpu.memref_slice %dma_start3A_235[%dma_start3A_236, %dma_start3A_237] : memref<128x128xf32, #tpu.memory_space<vmem_shared>> -> memref<128x128xf32, #tpu.memory_space<vmem_shared>>
        tpu.enqueue_indirect_dma source(%dma_start3A_223 : memref<128x128xf32, #tpu.memory_space<vmem>>) target(%dma_start3A_238 : memref<128x128xf32, #tpu.memory_space<vmem_shared>>) offsets(%dma_start3A_226 : memref<128xi32, #tpu.memory_space<vmem>>) semaphore(%run_scoped3A_219 : memref<!tpu.dma_semaphore, #tpu.memory_space<semaphore_mem>>) {add = true}
        %dma_wait3A_239 = arith.constant 0 : i32
        %dma_wait3A_240 = arith.constant 0 : i32
        %dma_wait3A_241 = tpu.memref_slice %arg9[%rem3A_143, %dma_wait3A_239, %dma_wait3A_240] : memref<3x128x128xf32, #tpu.memory_space<vmem>> -> memref<1x128x128xf32, #tpu.memory_space<vmem>>
        %dma_wait3A_242 = tpu.memref_squeeze %dma_wait3A_241 : memref<1x128x128xf32, #tpu.memory_space<vmem>> -> memref<128x128xf32, #tpu.memory_space<vmem>>
        %dma_wait3A_243 = arith.constant 0 : i32
        %dma_wait3A_244 = tpu.memref_slice %arg8[%run_scoped3A_199, %dma_wait3A_243] : memref<1x128xi32, #tpu.memory_space<vmem>> -> memref<1x128xi32, #tpu.memory_space<vmem>>
        %dma_wait3A_245 = tpu.memref_squeeze %dma_wait3A_244 : memref<1x128xi32, #tpu.memory_space<vmem>> -> memref<128xi32, #tpu.memory_space<vmem>>
        %dma_wait3A_246 = arith.constant 0 : i32
        %dma_wait3A_247 = arith.constant 0 : i32
        %dma_wait3A_248 = arith.constant 0 : i32
        %dma_wait3A_249 = tpu.memref_slice %arg11[%arg1, %dma_wait3A_246, %dma_wait3A_247, %dma_wait3A_248] : memref<16x3x128x128xf32, #tpu.memory_space<vmem_shared>> -> memref<1x3x128x128xf32, #tpu.memory_space<vmem_shared>>
        %dma_wait3A_250 = tpu.memref_squeeze %dma_wait3A_249 : memref<1x3x128x128xf32, #tpu.memory_space<vmem_shared>> -> memref<3x128x128xf32, #tpu.memory_space<vmem_shared>>
        %dma_wait3A_251 = arith.constant 0 : i32
        %dma_wait3A_252 = arith.constant 0 : i32
        %dma_wait3A_253 = tpu.memref_slice %dma_wait3A_250[%rem3A_143, %dma_wait3A_251, %dma_wait3A_252] : memref<3x128x128xf32, #tpu.memory_space<vmem_shared>> -> memref<1x128x128xf32, #tpu.memory_space<vmem_shared>>
        %dma_wait3A_254 = tpu.memref_squeeze %dma_wait3A_253 : memref<1x128x128xf32, #tpu.memory_space<vmem_shared>> -> memref<128x128xf32, #tpu.memory_space<vmem_shared>>
        %dma_wait3A_255 = arith.constant 0 : i32
        %dma_wait3A_256 = arith.constant 0 : i32
        %dma_wait3A_257 = tpu.memref_slice %dma_wait3A_254[%dma_wait3A_255, %dma_wait3A_256] : memref<128x128xf32, #tpu.memory_space<vmem_shared>> -> memref<128x128xf32, #tpu.memory_space<vmem_shared>>
        tpu.wait_indirect_dma semaphore(%run_scoped3A_219 : memref<!tpu.dma_semaphore, #tpu.memory_space<semaphore_mem>>) src(%dma_wait3A_242 : memref<128x128xf32, #tpu.memory_space<vmem>>) dst(%dma_wait3A_257 : memref<128x128xf32, #tpu.memory_space<vmem_shared>>)
        tpu.yield
      }) : () -> ()
      %rem3A_200 = arith.constant 3 : i32
      %rem3A_201 = arith.remsi %scan3A_141, %rem3A_200 : i32
      %mul3A_202 = arith.constant 128 : i32
      %mul3A_203 = arith.muli %scan3A_141, %mul3A_202 : i32
      %add3A_204 = arith.addi %mul3A_2, %mul3A_203 : i32
      %multiple_of3A_205 = tpu.assume_multiple %add3A_204, 8 : i32
      %dma_start3A_206 = tpu.memref_slice %arg14[%rem3A_201] : memref<3x!tpu.dma_semaphore, #tpu.memory_space<semaphore_mem>> -> memref<1x!tpu.dma_semaphore, #tpu.memory_space<semaphore_mem>>
      %dma_start3A_207 = tpu.memref_squeeze %dma_start3A_206 : memref<1x!tpu.dma_semaphore, #tpu.memory_space<semaphore_mem>> -> memref<!tpu.dma_semaphore, #tpu.memory_space<semaphore_mem>>
      %dma_start3A_208 = arith.constant 0 : i32
      %dma_start3A_209 = tpu.memref_slice %arg6[%multiple_of3A_205, %dma_start3A_208] : memref<819200x128xf32, #tpu.memory_space<hbm>> -> memref<128x128xf32, #tpu.memory_space<hbm>>
      %dma_start3A_210 = arith.constant 0 : i32
      %dma_start3A_211 = arith.constant 0 : i32
      %dma_start3A_212 = arith.constant 0 : i32
      %dma_start3A_213 = tpu.memref_slice %arg11[%arg1, %dma_start3A_210, %dma_start3A_211, %dma_start3A_212] : memref<16x3x128x128xf32, #tpu.memory_space<vmem_shared>> -> memref<1x3x128x128xf32, #tpu.memory_space<vmem_shared>>
      %dma_start3A_214 = tpu.memref_squeeze %dma_start3A_213 : memref<1x3x128x128xf32, #tpu.memory_space<vmem_shared>> -> memref<3x128x128xf32, #tpu.memory_space<vmem_shared>>
      %dma_start3A_215 = arith.constant 0 : i32
      %dma_start3A_216 = arith.constant 0 : i32
      %dma_start3A_217 = tpu.memref_slice %dma_start3A_214[%rem3A_201, %dma_start3A_215, %dma_start3A_216] : memref<3x128x128xf32, #tpu.memory_space<vmem_shared>> -> memref<1x128x128xf32, #tpu.memory_space<vmem_shared>>
      %dma_start3A_218 = tpu.memref_squeeze %dma_start3A_217 : memref<1x128x128xf32, #tpu.memory_space<vmem_shared>> -> memref<128x128xf32, #tpu.memory_space<vmem_shared>>
      tpu.enqueue_dma source(%dma_start3A_218 : memref<128x128xf32, #tpu.memory_space<vmem_shared>>) target(%dma_start3A_209 : memref<128x128xf32, #tpu.memory_space<hbm>>) target_semaphore(%dma_start3A_207 : memref<!tpu.dma_semaphore, #tpu.memory_space<semaphore_mem>>)
    }
    %scan3A_84 = arith.constant 200 : i32
    %rem3A_85 = arith.constant 197 : i32
    %rem3A_86 = arith.constant 3 : i32
    %rem3A_87 = arith.remsi %rem3A_85, %rem3A_86 : i32
    %add3A_88 = arith.constant 25216 : i32
    %add3A_89 = arith.addi %mul3A_2, %add3A_88 : i32
    %multiple_of3A_90 = tpu.assume_multiple %add3A_89, 8 : i32
    %dma_wait3A = tpu.memref_slice %arg14[%rem3A_87] : memref<3x!tpu.dma_semaphore, #tpu.memory_space<semaphore_mem>> -> memref<1x!tpu.dma_semaphore, #tpu.memory_space<semaphore_mem>>
    %dma_wait3A_91 = tpu.memref_squeeze %dma_wait3A : memref<1x!tpu.dma_semaphore, #tpu.memory_space<semaphore_mem>> -> memref<!tpu.dma_semaphore, #tpu.memory_space<semaphore_mem>>
    %dma_wait3A_92 = arith.constant 0 : i32
    %dma_wait3A_93 = tpu.memref_slice %arg6[%multiple_of3A_90, %dma_wait3A_92] : memref<819200x128xf32, #tpu.memory_space<hbm>> -> memref<128x128xf32, #tpu.memory_space<hbm>>
    %dma_wait3A_94 = arith.constant 0 : i32
    %dma_wait3A_95 = arith.constant 0 : i32
    %dma_wait3A_96 = arith.constant 0 : i32
    %dma_wait3A_97 = tpu.memref_slice %arg11[%arg1, %dma_wait3A_94, %dma_wait3A_95, %dma_wait3A_96] : memref<16x3x128x128xf32, #tpu.memory_space<vmem_shared>> -> memref<1x3x128x128xf32, #tpu.memory_space<vmem_shared>>
    %dma_wait3A_98 = tpu.memref_squeeze %dma_wait3A_97 : memref<1x3x128x128xf32, #tpu.memory_space<vmem_shared>> -> memref<3x128x128xf32, #tpu.memory_space<vmem_shared>>
    %dma_wait3A_99 = arith.constant 0 : i32
    %dma_wait3A_100 = arith.constant 0 : i32
    %dma_wait3A_101 = tpu.memref_slice %dma_wait3A_98[%rem3A_87, %dma_wait3A_99, %dma_wait3A_100] : memref<3x128x128xf32, #tpu.memory_space<vmem_shared>> -> memref<1x128x128xf32, #tpu.memory_space<vmem_shared>>
    %dma_wait3A_102 = tpu.memref_squeeze %dma_wait3A_101 : memref<1x128x128xf32, #tpu.memory_space<vmem_shared>> -> memref<128x128xf32, #tpu.memory_space<vmem_shared>>
    tpu.wait_dma2 semaphore(%dma_wait3A_91 : memref<!tpu.dma_semaphore, #tpu.memory_space<semaphore_mem>>) src(%dma_wait3A_102 : memref<128x128xf32, #tpu.memory_space<vmem_shared>>) dst(%dma_wait3A_93 : memref<128x128xf32, #tpu.memory_space<hbm>>)
    %rem3A_103 = arith.constant 198 : i32
    %rem3A_104 = arith.constant 3 : i32
    %rem3A_105 = arith.remsi %rem3A_103, %rem3A_104 : i32
    %add3A_106 = arith.constant 25344 : i32
    %add3A_107 = arith.addi %mul3A_2, %add3A_106 : i32
    %multiple_of3A_108 = tpu.assume_multiple %add3A_107, 8 : i32
    %dma_wait3A_109 = tpu.memref_slice %arg14[%rem3A_105] : memref<3x!tpu.dma_semaphore, #tpu.memory_space<semaphore_mem>> -> memref<1x!tpu.dma_semaphore, #tpu.memory_space<semaphore_mem>>
    %dma_wait3A_110 = tpu.memref_squeeze %dma_wait3A_109 : memref<1x!tpu.dma_semaphore, #tpu.memory_space<semaphore_mem>> -> memref<!tpu.dma_semaphore, #tpu.memory_space<semaphore_mem>>
    %dma_wait3A_111 = arith.constant 0 : i32
    %dma_wait3A_112 = tpu.memref_slice %arg6[%multiple_of3A_108, %dma_wait3A_111] : memref<819200x128xf32, #tpu.memory_space<hbm>> -> memref<128x128xf32, #tpu.memory_space<hbm>>
    %dma_wait3A_113 = arith.constant 0 : i32
    %dma_wait3A_114 = arith.constant 0 : i32
    %dma_wait3A_115 = arith.constant 0 : i32
    %dma_wait3A_116 = tpu.memref_slice %arg11[%arg1, %dma_wait3A_113, %dma_wait3A_114, %dma_wait3A_115] : memref<16x3x128x128xf32, #tpu.memory_space<vmem_shared>> -> memref<1x3x128x128xf32, #tpu.memory_space<vmem_shared>>
    %dma_wait3A_117 = tpu.memref_squeeze %dma_wait3A_116 : memref<1x3x128x128xf32, #tpu.memory_space<vmem_shared>> -> memref<3x128x128xf32, #tpu.memory_space<vmem_shared>>
    %dma_wait3A_118 = arith.constant 0 : i32
    %dma_wait3A_119 = arith.constant 0 : i32
    %dma_wait3A_120 = tpu.memref_slice %dma_wait3A_117[%rem3A_105, %dma_wait3A_118, %dma_wait3A_119] : memref<3x128x128xf32, #tpu.memory_space<vmem_shared>> -> memref<1x128x128xf32, #tpu.memory_space<vmem_shared>>
    %dma_wait3A_121 = tpu.memref_squeeze %dma_wait3A_120 : memref<1x128x128xf32, #tpu.memory_space<vmem_shared>> -> memref<128x128xf32, #tpu.memory_space<vmem_shared>>
    tpu.wait_dma2 semaphore(%dma_wait3A_110 : memref<!tpu.dma_semaphore, #tpu.memory_space<semaphore_mem>>) src(%dma_wait3A_121 : memref<128x128xf32, #tpu.memory_space<vmem_shared>>) dst(%dma_wait3A_112 : memref<128x128xf32, #tpu.memory_space<hbm>>)
    %rem3A_122 = arith.constant 199 : i32
    %rem3A_123 = arith.constant 3 : i32
    %rem3A_124 = arith.remsi %rem3A_122, %rem3A_123 : i32
    %add3A_125 = arith.constant 25472 : i32
    %add3A_126 = arith.addi %mul3A_2, %add3A_125 : i32
    %multiple_of3A_127 = tpu.assume_multiple %add3A_126, 8 : i32
    %dma_wait3A_128 = tpu.memref_slice %arg14[%rem3A_124] : memref<3x!tpu.dma_semaphore, #tpu.memory_space<semaphore_mem>> -> memref<1x!tpu.dma_semaphore, #tpu.memory_space<semaphore_mem>>
    %dma_wait3A_129 = tpu.memref_squeeze %dma_wait3A_128 : memref<1x!tpu.dma_semaphore, #tpu.memory_space<semaphore_mem>> -> memref<!tpu.dma_semaphore, #tpu.memory_space<semaphore_mem>>
    %dma_wait3A_130 = arith.constant 0 : i32
    %dma_wait3A_131 = tpu.memref_slice %arg6[%multiple_of3A_127, %dma_wait3A_130] : memref<819200x128xf32, #tpu.memory_space<hbm>> -> memref<128x128xf32, #tpu.memory_space<hbm>>
    %dma_wait3A_132 = arith.constant 0 : i32
    %dma_wait3A_133 = arith.constant 0 : i32
    %dma_wait3A_134 = arith.constant 0 : i32
    %dma_wait3A_135 = tpu.memref_slice %arg11[%arg1, %dma_wait3A_132, %dma_wait3A_133, %dma_wait3A_134] : memref<16x3x128x128xf32, #tpu.memory_space<vmem_shared>> -> memref<1x3x128x128xf32, #tpu.memory_space<vmem_shared>>
    %dma_wait3A_136 = tpu.memref_squeeze %dma_wait3A_135 : memref<1x3x128x128xf32, #tpu.memory_space<vmem_shared>> -> memref<3x128x128xf32, #tpu.memory_space<vmem_shared>>
    %dma_wait3A_137 = arith.constant 0 : i32
    %dma_wait3A_138 = arith.constant 0 : i32
    %dma_wait3A_139 = tpu.memref_slice %dma_wait3A_136[%rem3A_124, %dma_wait3A_137, %dma_wait3A_138] : memref<3x128x128xf32, #tpu.memory_space<vmem_shared>> -> memref<1x128x128xf32, #tpu.memory_space<vmem_shared>>
    %dma_wait3A_140 = tpu.memref_squeeze %dma_wait3A_139 : memref<1x128x128xf32, #tpu.memory_space<vmem_shared>> -> memref<128x128xf32, #tpu.memory_space<vmem_shared>>
    tpu.wait_dma2 semaphore(%dma_wait3A_129 : memref<!tpu.dma_semaphore, #tpu.memory_space<semaphore_mem>>) src(%dma_wait3A_140 : memref<128x128xf32, #tpu.memory_space<vmem_shared>>) dst(%dma_wait3A_131 : memref<128x128xf32, #tpu.memory_space<hbm>>)
    return
  }
}

</mosaic_0001>

<sc_bundles>
// kernel: kernel.3.cloned.1.call-start
scs
__scs_entry_jumppad:
0x0: {  	(pc) =	sbr.rel $0x88, $3  }
0x1: {  	(tag) =	ssettag $0x0;
	lr =	simm.s32 $0x1  }
0x2: {  	[smem:$0x3F9E] =	sst lr;
	_ =	strace $0xD0000000  }
0x3: {  	_ = 	snop  }
0x4: {  	_ = 	snop  }
0x5: {  	_ = 	snop  }
0x6: {  	_ = 	snop  }
0x7: {  	_ = 	snop  }
__scs_overlays_trampoline_lowered:
0x8: {  	[smem:$0x3FAD] =	sst s0  }
0x9: {  	[smem:$0x3FAE] =	sst s1  }
0xa: {  	[smem:$0x3FAF] =	sst s2  }
0xb: {  	[smem:$0x3FB0] =	sst s3  }
0xc: {  	[smem:$0x3FB1] =	sst s4  }
0xd: {  	[smem:$0x3FB2] =	sst s5  }
0xe: {  	[smem:$0x3FB3] =	sst s6  }
0xf: {  	[smem:$0x3FB4] =	sst s7  }
0x10: {  	[smem:$0x3FB5] =	sst s8  }
0x11: {  	[smem:$0x3FB6] =	sst s9;
	s0 =	simm.s32 @!p0 $0x0  }
0x12: {  	s1 =	sld [smem:$0x3F9C];
	s0 =	simm.s32 @p0 $0x1  }
0x13: {  	[smem:$0x3FB7] =	sst s0;
	s0 =	simm.s32 @!p1 $0x0  }
0x14: {  	s2 =	sld [smem:$0x3F9B];
	s0 =	simm.s32 @p1 $0x1  }
0x15: {  	[smem:$0x3FB8] =	sst s0;
	s0 =	simm.s32 @!p2 $0x0  }
0x16: {  	s3 =	sld [smem:$0x3FDB];
	s0 =	simm.s32 @p2 $0x1  }
0x17: {  	s4 =	simm.s32 $0x1BF5;
	[smem:$0x3FBA] =	sst s0  }
0x18: {  	s0 =	sld [smem:$0x3F9D];
	_ =	swait.ge [sflag:s4], $0x0  }
0x19: {  	s7 =	sld [smem:$0x3F9E]  }
0x1a: {  	s8 =	sadd.s32 $0xFFFFE003, lr  }
0x1b: {  	s9 =	sadd.s32 $0xFFFFFEF7, lr;
	s5 =	simm.s32 $0xFFFFFFFF;
	p2 =	slt.u32 s8, $0xFFFFF086  }
0x1c: {  	p1 =	slt.u32 s9, $0xF7A;
	s5 =	simm.s32 @!p2 $0x0  }
0x1d: {  	s5 =	simm.s32 @p1 $0x1;
	p0 =	seq.s32 s7, s2  }
0x1e: {  	s7 =	smul.u32 @!p0 $0xF7A, s2;
	p2 =	seq.s32 @!p0 s5, $0x0  }
0x1f: {  	s9 =	smul.u32 $0xF7A, s1;
	s8 =	simm.s32 @!p0 $0x1BF5;
	p2 =	por !p2, p0  }
0x20: {  	[sflag:s8] =	ssyncset.s32 @!p0 $0xFFFFF086;
	s6 =	sadd.s32 @!p0 s3, s7;
	s7 =	simm.s32 @!p0 $0x108  }
0x21: {  	s3 =	sadd.s32 s3, s9;
	s6 =	sadd.s32 @!p0 $0x88, s6;
	s7 =	simm.s32 @p2 $0x1082  }
0x22: {  	[simem:s7], [sflag:s8] =	dma.local @!p0 [hbm:s6], $0xF7A  }
0x23: {  	s9 =	sor.u32 $0xD0000000, s2;
	s6 =	simm.s32 $0x108;
	_ =	swait.ge @!p0 [sflag:s8], $0x0  }
0x24: {  	s3 =	sadd.s32 $0x88, s3;
	s6 =	simm.s32 @!p1 $0x1082;
	[sflag:s4] =	ssyncset.s32 $0xFFFFF086  }
0x25: {  	[simem:s6], [sflag:s4] =	dma.local [hbm:s3], $0xF7A  }
0x26: {  	[smem:$0x3F9E] =	sst s1;
	(tag) =	ssettag s2;
	_ =	strace s9  }
0x27: {  	s1 =	sld [smem:$0x3FAE]  }
0x28: {  	s2 =	sld [smem:$0x3FAF]  }
0x29: {  	s4 =	sld [smem:$0x3FB1]  }
0x2a: {  	p0 =	seq.s32 s5, $0x0;
	s5 =	sld [smem:$0x3FB2]  }
0x2b: {  	s6 =	sld [smem:$0x3FB3]  }
0x2c: {  	s7 =	sld [smem:$0x3FB4]  }
0x2d: {  	s3 =	simm.s32 $0x108;
	s8 =	sld [smem:$0x3FB5]  }
0x2e: {  	s3 =	simm.s32 @!p0 $0x1082;
	s9 =	sld [smem:$0x3FB6]  }
0x2f: {  	lr =	sadd.s32 s0, s3;
	s0 =	sld [smem:$0x3FAD]  }
0x30: {  	s3 =	sld [smem:$0x3FB0]  }
0x31: {  	[smem:$0x3FB9] =	sst s10  }
0x32: {  	s10 =	sld [smem:$0x3FB7];
	_ =	sdelay $0x3  }
0x33: {  	p0 =	seq.s32 s10, $0x1;
	s10 =	sld [smem:$0x3FB9];
	_ =	sdelay $0x3  }
0x34: {  	[smem:$0x3FB9] =	sst s10  }
0x35: {  	s10 =	sld [smem:$0x3FB8];
	_ =	sdelay $0x3  }
0x36: {  	p1 =	seq.s32 s10, $0x1;
	s10 =	sld [smem:$0x3FB9];
	_ =	sdelay $0x3  }
0x37: {  	[smem:$0x3FB9] =	sst s10  }
0x38: {  	s10 =	sld [smem:$0x3FBA]  }
0x39: {  	_ = 	snop;
	(pc) =	sbr.ind lr, $3  }
0x3a: {  	_ = 	snop  }
0x3b: {  	_ = 	snop  }
0x3c: {  	p2 =	seq.s32 s10, $0x1;
	s10 =	sld [smem:$0x3FB9]  }
0x3d: {  	_ =	shalt  }
0x3e: {  	_ =	shalt  }
0x3f: {  	_ =	shalt  }
0x40: {  	_ =	shalt  }
0x41: {  	_ =	shalt  }
0x42: {  	_ =	shalt  }
0x43: {  	_ =	shalt  }
0x44: {  	_ =	shalt  }
0x45: {  	_ =	shalt  }
0x46: {  	_ =	shalt  }
0x47: {  	_ =	shalt  }
0x48: {  	_ =	shalt  }
0x49: {  	_ =	shalt  }
0x4a: {  	_ =	shalt  }
0x4b: {  	_ =	shalt  }
0x4c: {  	_ =	shalt  }
0x4d: {  	_ =	shalt  }
0x4e: {  	_ =	shalt  }
0x4f: {  	_ =	shalt  }
0x50: {  	_ =	shalt  }
0x51: {  	_ =	shalt  }
0x52: {  	_ =	shalt  }
0x53: {  	_ =	shalt  }
0x54: {  	_ =	shalt  }
0x55: {  	_ =	shalt  }
0x56: {  	_ =	shalt  }
0x57: {  	_ =	shalt  }
0x58: {  	_ =	shalt  }
0x59: {  	_ =	shalt  }
0x5a: {  	_ =	shalt  }
0x5b: {  	_ =	shalt  }
0x5c: {  	_ =	shalt  }
0x5d: {  	_ =	shalt  }
0x5e: {  	_ =	shalt  }
0x5f: {  	_ =	shalt  }
0x60: {  	_ =	shalt  }
0x61: {  	_ =	shalt  }
0x62: {  	_ =	shalt  }
0x63: {  	_ =	shalt  }
0x64: {  	_ =	shalt  }
0x65: {  	_ =	shalt  }
0x66: {  	_ =	shalt  }
0x67: {  	_ =	shalt  }
0x68: {  	_ =	shalt  }
0x69: {  	_ =	shalt  }
0x6a: {  	_ =	shalt  }
0x6b: {  	_ =	shalt  }
0x6c: {  	_ =	shalt  }
0x6d: {  	_ =	shalt  }
0x6e: {  	_ =	shalt  }
0x6f: {  	_ =	shalt  }
0x70: {  	_ =	shalt  }
0x71: {  	_ =	shalt  }
0x72: {  	_ =	shalt  }
0x73: {  	_ =	shalt  }
0x74: {  	_ =	shalt  }
0x75: {  	_ =	shalt  }
0x76: {  	_ =	shalt  }
0x77: {  	_ =	shalt  }
0x78: {  	_ =	shalt  }
0x79: {  	_ =	shalt  }
0x7a: {  	_ =	shalt  }
0x7b: {  	_ =	shalt  }
0x7c: {  	_ =	shalt  }
0x7d: {  	_ =	shalt  }
0x7e: {  	_ =	shalt  }
0x7f: {  	_ =	shalt  }
0x80: {  	_ =	shalt  }
0x81: {  	_ =	shalt  }
0x82: {  	_ =	shalt  }
0x83: {  	_ =	shalt  }
0x84: {  	_ =	shalt  }
0x85: {  	_ =	shalt  }
0x86: {  	_ =	shalt  }
0x87: {  	_ =	shalt  }
.Lfunc_end0:
.L_simem_size_0:
called_computation.1_lowered:
.L_overlay_start_0:
0x88: {  	s2 =	sld [smem:$0x3FD9]  }
0x89: {  	s3 =	sld [smem:$0x3FFE];
	_ =	sdelay $0x1  }
0x8a: {  	s1 =	srdreg.scid  }
0x8b: {  	s0 =	sand.u32 $0x1, s1  }
0x8c: {  	s17 =	sshll.u32 s0, $0xA;
	s2 =	sadd.s32 s3, s2  }
0x8d: {  	s2 =	sadd.s32 s2, s17  }
0x8e: {  	[smem:$0x3FC5] =	sst s2  }
0x8f: {  	_ = 	snop  }
0x90: {  	s2 =	sld [smem:$0x3FD0];
	(tm) =	ssettm $0x1  }
0x91: {  	s18 =	sld [smem:$0x3FFB];
	_ =	sdelay $0x3  }
0x92: {  	_ =	strace s18  }
0x93: {  	s3 =	sld [smem:$0x3FFC];
	_ =	sdelay $0x3  }
0x94: {  	_ =	strace s3  }
0x95: {  	s3 =	sld [smem:$0x3FFD];
	_ =	sdelay $0x3  }
0x96: {  	_ =	strace s3  }
0x97: {  	_ =	strace $0x8FFFFFFF  }
0x98: {  	s19 =	sld [smem:$0x3FDB];
	_ =	sdelay $0x1  }
0x99: {  	s4 =	simm.s32 $_scs_section_size  }
0x9a: {  	s5 =	simm.s32 $_size__tile_overlayer_lowered;
	s6 =	simm.s32 $_tile_overlayer_lowered  }
0x9b: {  	s22 =	simm.s32 $0x1BFF;
	s21 =	sshll.u32 s6, $0x1;
	s3 =	sadd.s32 s4, s19  }
0x9c: {  	s7 =	simm.s32 $0x0;
	s20 =	sshll.u32 s5, $0x1;
	s5 =	sadd.s32 s21, s3  }
0x9d: {  	[timem:s7], [sflag:s22] =	dma.local [hbm:s5], s20  }
0x9e: {  	_ =	swait.ge [sflag:s22], s20  }
0x9f: {  	s4 =	ssub.s32 $0x0, s20;
	[sflag:s22] =	ssyncset.done $0x0  }
0xa0: {  	[sflag:s22] =	ssyncadd.s32 s4;
	_ =	sdelay $0x1  }
0xa1: {  	s23 =	simm.s32 $0x1B8B  }
0xa2: {  	_ =	swait.ge [sflag:s23], $0x1  }
0xa3: {  	[sflag:s23] =	ssyncset.done $0x0  }
0xa4: {  	s25 =	simm.s32 $0x1B8E;
	s24 =	sld [smem:$0x3FFE];
	[sflag:s23] =	ssyncadd.s32 $0xFFFFFFFF  }
0xa5: {  	s26 =	simm.s32 $execute0_lowered;
	[smem:$0x3FD2] =	sst s25  }
0xa6: {  	s5 =	sshll.u32 s26, $0x1;
	_ =	strace $0x80000046;
	[dreg:$0x1] =	wrdreg $0xFFFFFFFF  }
0xa7: {  	s28 =	simm.s32 $_size_execute0_lowered;
	s3 =	sadd.s32 s3, s5;
	[dreg:$0x0] =	wrdreg $0x0  }
0xa8: {  	s5 =	sshll.u32 s28, $0x1;
	[dreg:$0x2] =	wrdreg s3  }
0xa9: {  	[dreg:$0x3] =	wrdreg s5  }
0xaa: {  	[dreg:$0x4] =	wrdreg $0xC0  }
0xab: {  	_ =	task [dreg:s7], $0x5FFFF  }
0xac: {  	[dreg:$0x1] =	wrdreg $0xFFFFFFFF  }
0xad: {  	[dreg:$0x0] =	wrdreg $0x60  }
0xae: {  	[dreg:$0x2] =	wrdreg s2  }
0xaf: {  	[dreg:$0x3] =	wrdreg s24  }
0xb0: {  	[dreg:$0x4] =	wrdreg $0xC8800  }
0xb1: {  	[dreg:$0x5] =	wrdreg $0xD5000  }
0xb2: {  	[dreg:$0x6] =	wrdreg $0x9  }
0xb3: {  	_ =	task.clear_ibuf [dreg:s7], $0x7FFFF;
	_ =	strace $0x90000046  }
0xb4: {  	s29 =	simm.s32 $0x9;
	_ =	strace $0x80000048  }
0xb5: {  	_ =	swait.ge [sflag:s29], $0x1  }
0xb6: {  	[sflag:s29] =	ssyncadd.s32 $0xFFFFFFFF  }
0xb7: {  	_ =	strace $0x90000048  }
0xb8: {  	_ =	sfence  }
0xb9: {  	s30 =	sld [smem:$0x0];
	_ =	sdelay $0x2  }
0xba: {  	s31 =	sshll.u32 s1, $0xD;
	s1 =	sshrl.u32 s1, $0x2  }
0xbb: {  	s3 =	sand.u32 $0x4000, s31;
	s1 =	sadd.s32 s1, s30  }
0xbc: {  	s0 =	sor.u32 s3, s0;
	s1 =	sshll.u32 s1, $0x11  }
0xbd: {  	s0 =	sor.u32 s1, s0  }
0xbe: {  	s0 =	sadd.s32 $0x8F2B, s0  }
0xbf: {  	[sflag:s0] =	ssyncadd.remote.s32 $0x1  }
0xc0: {  	_ =	sfence.sel $0xFFFF  }
0xc1: {  	[dreg:$0x0] =	wrdreg $0xFFFFFFFF;
	(pc) =	sbr.abs _section_cstart, $3  }
0xc2: {  	[dreg:$0x1] =	wrdreg $0xFFFFFFFF  }
0xc3: {  	_ =	task.clear_ibuf [dreg:s7], $0x2FFFF;
	_ =	strace $0x9FFFFFFF  }
0xc4: {  	(tm) =	ssettm $0x7FFFFFFF  }
0xc5: {  	_ =	shalt  }
tec
execute0_lowered:
.L_overlay_start_1:
0x0: {  	(tag) =	ssettag $0x1  }
0x1: {  	s1 =	rddreg [dreg:$0x0]  }
0x2: {  	s8 =	rddreg [dreg:$0x1]  }
0x3: {  	s2 =	rddreg [dreg:$0x2]  }
0x4: {  	s11 =	rddreg [dreg:$0x3];
	s3 =	simm.s32 $0x0;
	s4 =	stileid.u32  }
0x5: {  	s5 =	srdreg.scid;
	s18 =	simm.s32 $0x80;
	s21 =	simm.s32 $0x8  }
0x6: {  	s22 =	simm.s32 $0x6;
	s23 =	simm.s32 $0x7;
	s24 =	simm.s32 $0x0  }
0x7: {  	[smem:$0x7FF] =	sst s3;
	s9 =	sand.u32 $0x1, s5;
	s10 =	smul.u32 $0xC8000, s4  }
0x8: {  	s26 =	sshll.u32 s4, $0x1;
	s5 =	sadd.s32 $0xF44A00, s8;
	s29 =	smul.u32 $0x30000, s4  }
0x9: {  	s0 =	sadd.s32 $0xF43000, s8;
	s12 =	sor.u32 s9, s26;
	s17 =	smul.u32 $0x64000, s9  }
0xa: {  	s7 =	sadd.s32 $0xC00, s8;
	p0 =	sne.s32 s4, $0x0;
	s13 =	smul.u32 $0x6400, s12  }
0xb: {  	_ =	strace $0x80000047;
	[dreg:$0x5] =	wrdreg s0;
	s15 =	smul.u32 $0xC80, s12  }
0xc: {  	s14 =	ssub.s32 $0x2, s9;
	s16 =	sadd.s32 s10, s8;
	s10 =	smul.u32 $0x19, s12  }
.Ltmp0:
0xd: {  	s28 =	sshrl.u32 s14, $0x1;
	s30 =	sshrl.u32 s29, $0x2;
	(pc) =	sbr.rel .LBB2_1-.Ltmp0, $4  }
0xe: {  	s14 =	ssub.s32 s14, s28;
	s11 =	sadd.s32 s30, s11;
	s31 =	sadd.s32 s17, s16  }
0xf: {  	s16 =	simm.s32 $0x9;
	s8 =	sadd.s32 s1, s15;
	s13 =	sshrl.u32 s13, $0x3  }
0x10: {  	s12 =	smax.u32 s14, $0x1;
	s14 =	sshrl.u32 @!p0 s2, $0x3;
	s13 =	sadd.s32 s1, s13  }
0x11: {  	s15 =	simm.s32 $0x800;
	s9 =	sadd.s32 $0x80, s13;
	s13 =	sadd.s32 $0xE00, s31  }
.LBB2_9:
0x12: {  	_ =	swait.ge [sflag:s21], $0x800  }
0x13: {  	[sflag:s21] =	ssyncset.done $0x0  }
0x14: {  	s24 =	sadd.s32 $0x1, s24;
	[sflag:s21] =	ssyncadd.s32 $0xFFFFF800  }
0x15: {  	p1 =	sne.s32 s24, s12;
	_ =	swait.ge [sflag:s22], $0x800  }
.Ltmp1:
0x16: {  	[sflag:s22] =	ssyncset.done $0x0;
	(pc) =	sbr.rel @!p1 .LBB2_10-.Ltmp1, $4  }
0x17: {  	[sflag:s22] =	ssyncadd.s32 $0xFFFFF800  }
0x18: {  	_ =	swait.ge [sflag:s23], $0x800  }
0x19: {  	[sflag:s23] =	ssyncset.done $0x0  }
0x1a: {  	[sflag:s23] =	ssyncadd.s32 $0xFFFFF800  }
.LBB2_1:
0x1b: {  	s25 =	simm.s32 @!p0 $0x1C09;
	s0 =	rddreg [dreg:$0x5]  }
0x1c: {  	[spmem:s14], [sflag:s25] =	dma.local @!p0 [hbm:s0], $0x1900  }
0x1d: {  	s25 =	simm.s32 @!p0 $0x9  }
0x1e: {  	_ =	swait.ge @!p0 [sflag:s25], $0x1900  }
0x1f: {  	[sflag:s25] =	ssyncset.done @!p0 $0x0  }
0x20: {  	[sflag:s25] =	ssyncadd.s32 @!p0 $0xFFFFE700  }
0x21: {  	[tilespmem:s15], [sflag:$0x9] =	stream.linear.gather [hbm4b:s7+s3], $0x80, $0x38;
	[tilespmem:$0x19500] =	vst v63  }
0x22: {  	_ =	swait.ge [sflag:s16], $0x80  }
0x23: {  	[sflag:s16] =	ssyncset.done $0x0  }
0x24: {  	[sflag:s16] =	ssyncadd.s32 $0xFFFFFF80  }
0x25: {  	[bflag:$0x0] =	sbarrier.arrive $0xFFFF  }
0x26: {  	[tilespmem:s3], [sflag:$0x9] =	stream.linear.gather [hbm4b:s8+s3], $0x400, $0x38;
	[tilespmem:$0x19500] =	vst v63  }
0x27: {  	_ =	swait.ge [sflag:s16], $0x400  }
0x28: {  	[sflag:s16] =	ssyncset.done $0x0  }
0x29: {  	s26 =	simm.s32 $0x400;
	[sflag:s16] =	ssyncadd.s32 $0xFFFFFC00  }
0x2a: {  	[tilespmem:s26], [sflag:$0x2] =	stream.linear.gather [hbm4b:s9+s3], $0x400, $0x38;
	[tilespmem:$0x19500] =	vst v63  }
.Ltmp2:
0x2b: {  	_ = 	snop;
	(pc) =	sbr.rel .LBB2_2-.Ltmp2, $4  }
0x2c: {  	s29 =	simm.s32 $0x880;
	s30 =	simm.s32 $0x4880;
	s31 =	simm.s32 $0xFFFFFFFF  }
0x2d: {  	[tilespmem:s29], [sflag:$0x3] =	stream.indirect.gather [hbm4b:s5+s18], $0x80, s3, s18, $0xb8;
	[tilespmem:$0x19500] =	vst v63  }
0x2e: {  	s28 =	simm.s32 $0x0;
	s25 =	smov.u32 s13;
	s26 =	simm.s32 $0x0  }
0x2f: {  	[tilespmem:s30], [sflag:$0x4] =	stream.indirect.gather [hbm4b:s5+s18], $0x80, s18, s18, $0xb8;
	[tilespmem:$0x19500] =	vst v63  }
.LBB2_7:
0x30: {  	s0 =	sadd.s32 $0xFFFFFFFD, s29  }
0x31: {  	s17 =	sand.u32 $0xFF, s0  }
0x32: {  	s17 =	smul.u32 $0xAB, s17;
	_ =	sdelay $0x1  }
0x33: {  	s17 =	sshrl.u32 s17, $0x9  }
0x34: {  	s17 =	smul.u32 $0x3, s17;
	_ =	sdelay $0x1  }
0x35: {  	s0 =	ssub.s32 s0, s17  }
0x36: {  	s0 =	sand.u32 $0xFF, s0  }
0x37: {  	s0 =	sadd.s32 $0x6, s0  }
0x38: {  	_ =	swait.ge [sflag:s0], $0x800  }
0x39: {  	[sflag:s0] =	ssyncset.done $0x0  }
0x3a: {  	[sflag:s0] =	ssyncadd.s32 $0xFFFFF800  }
.LBB2_8:
0x3b: {  	s0 =	smul.u32 $0xAB, s29;
	s17 =	sand.u32 $0xFFF8, s26  }
0x3c: {  	s17 =	sshrl.u32 s17, $0x3  }
0x3d: {  	s0 =	sshrl.u32 s0, $0x9;
	s17 =	smul.u32 $0x147B, s17  }
0x3e: {  	s0 =	sand.u32 $0x7F, s0  }
0x3f: {  	s0 =	smul.u32 $0x3, s0;
	s17 =	sshrl.u32 s17, $0x11  }
0x40: {  	s17 =	smul.u32 $0xC8, s17;
	_ =	sdelay $0x1  }
0x41: {  	s0 =	ssub.s32 s29, s0;
	s17 =	ssub.s32 s26, s17  }
0x42: {  	s0 =	sand.u32 $0xFF, s0;
	s17 =	sand.u32 $0xFFFF, s17  }
0x43: {  	s30 =	sshll.u32 s0, $0xE;
	s17 =	sshll.u32 s17, $0x7  }
0x44: {  	s19 =	sshll.u32 s4, $0x6;
	s31 =	sadd.s32 s30, s11;
	s17 =	sadd.s32 s17, s2  }
0x45: {  	s20 =	sor.u32 $0x1C09, s19;
	s6 =	sshrl.u32 s31, $0x3;
	s17 =	sshrl.u32 s17, $0x3  }
0x46: {  	[spmem:s6], [sflag:s20] =	dma.local [spmem:s17], $0x800  }
0x47: {  	_ =	swait.ge [sflag:s16], $0x800  }
0x48: {  	[sflag:s16] =	ssyncset.done $0x0  }
0x49: {  	s20 =	sadd.s32 $0x3, s0;
	[sflag:s16] =	ssyncadd.s32 $0xFFFFF800  }
0x4a: {  	_ =	swait.ge [sflag:s20], $0x4000  }
0x4b: {  	[sflag:s20] =	ssyncset.done $0x0  }
0x4c: {  	p1 =	sne.s32 s29, $0xC7;
	s30 =	sor.u32 $0x880, s30;
	[sflag:s20] =	ssyncadd.s32 $0xFFFFC000  }
0x4d: {  	[spmem:s31] =	stream.indirect.scatter.add.f32 [tilespmem:s30], [sflag:$0x9], $0x80, s15, s18, $0xb8;
	[tilespmem:$0x19500] =	vst v63  }
.Ltmp3:
0x4e: {  	s30 =	sor.u32 $0x1C00, s19;
	_ =	swait.ge [sflag:s16], $0x4000;
	(pc) =	sbr.rel @!p1 .LBB2_9-.Ltmp3, $4  }
0x4f: {  	s0 =	sadd.s32 s30, s0;
	[sflag:s16] =	ssyncset.done $0x0  }
0x50: {  	s28 =	sadd.s32 $0x1, s28;
	s0 =	sadd.s32 $0x6, s0;
	[sflag:s16] =	ssyncadd.s32 $0xFFFFC000  }
0x51: {  	[hbm:s25], [sflag:s0] =	dma.local [spmem:s6], $0x800  }
0x52: {  	s26 =	sadd.s32 $0x80, s26;
	s31 =	smov.u32 s29;
	s25 =	sadd.s32 $0x800, s25  }
.LBB2_2:
0x53: {  	s29 =	sadd.s32 $0x1, s31  }
0x54: {  	s30 =	sand.u32 $0x7, s29  }
0x55: {  	p1 =	sne.s32 s30, $0x0  }
0x56: {  	p2 =	sgt.u32 @!p1 s31, $0xBE  }
0x57: {  	p1 =	por p1, p2  }
.Ltmp4:
0x58: {  	_ = 	snop;
	(pc) =	sbr.rel @p1 .LBB2_4-.Ltmp4, $3  }
0x59: {  	_ =	sdelay $0x1  }
0x5a: {  	s30 =	sshrl.u32 s29, $0x3  }
0x5b: {  	s30 =	sadd.s32 $0x1, s30  }
0x5c: {  	s31 =	sadd.s32 s10, s30  }
0x5d: {  	s31 =	sshll.u32 s31, $0x7  }
0x5e: {  	s0 =	sand.u32 $0x1, s30;
	s31 =	sand.u32 $0x1FFFFF80, s31  }
0x5f: {  	s17 =	sshll.u32 s0, $0xA;
	s0 =	sadd.s32 $0x1, s0;
	s31 =	sadd.s32 s1, s31  }
0x60: {  	[tilespmem:s17], [sflag:s0] =	stream.linear.gather [hbm4b:s31+s3], $0x400, $0x38;
	[tilespmem:$0x19500] =	vst v63  }
0x61: {  	s31 =	sor.u32 $0x2, s28  }
.LBB2_6:
0x62: {  	s17 =	sand.u32 $0x7, s31  }
0x63: {  	s0 =	smul.u32 $0xAB, s31;
	p1 =	sne.s32 s17, $0x0  }
0x64: {  	s30 =	sand.u32 @!p1 $0x1, s30  }
0x65: {  	s0 =	sshrl.u32 s0, $0x9;
	s30 =	sadd.s32 @!p1 $0x1, s30  }
0x66: {  	s0 =	sand.u32 $0x7F, s0;
	_ =	swait.ge @!p1 [sflag:s30], $0x400  }
0x67: {  	s0 =	smul.u32 $0x3, s0;
	[sflag:s30] =	ssyncset.done @!p1 $0x0  }
0x68: {  	[sflag:s30] =	ssyncadd.s32 @!p1 $0xFFFFFC00;
	p1 =	slt.u32 s29, $0x3  }
.Ltmp5:
0x69: {  	s0 =	ssub.s32 s31, s0;
	(pc) =	sbr.rel @p1 .LBB2_8-.Ltmp5, $4  }
.Ltmp6:
0x6a: {  	s19 =	sshll.u32 s31, $0x7;
	s0 =	sand.u32 $0xFF, s0;
	(pc) =	sbr.rel @!p1 .LBB2_7-.Ltmp6, $4  }
0x6b: {  	s17 =	sshll.u32 s17, $0x7;
	s30 =	sand.u32 $0x400, s19;
	s20 =	sshll.u32 s0, $0xE  }
0x6c: {  	s17 =	sor.u32 s17, s30;
	s0 =	sadd.s32 $0x3, s0;
	s31 =	sor.u32 $0x880, s20  }
0x6d: {  	[tilespmem:s31], [sflag:s0] =	stream.indirect.gather [hbm4b:s5+s18], $0x80, s17, s18, $0xb8;
	[tilespmem:$0x19500] =	vst v63  }
0x6e: {  	_ = 	snop  }
.LBB2_4:
0x6f: {  	p1 =	sgt.u32 s29, $0xC5  }
.Ltmp7:
0x70: {  	_ = 	snop;
	(pc) =	sbr.rel @p1 .LBB2_7-.Ltmp7, $1  }
0x71: {  	_ =	sdelay $0x3  }
.Ltmp8:
0x72: {  	(pc) =	sbr.rel .LBB2_6-.Ltmp8, $2  }
0x73: {  	_ =	sdelay $0x2  }
0x74: {  	s31 =	sadd.s32 $0x3, s31  }
.LBB2_10:
0x75: {  	_ =	sfence.sel $0x180000  }
0x76: {  	[bflag:$0x0] =	sbarrier.arrive $0xFFFF  }
0x77: {  	_ =	strace $0x90000047  }
0x78: {  	[bflag:$0x2] =	sbarrier.arrive $0xFFFF  }
0x79: {  	s0 =	rddreg [dreg:$0x4]  }
0x7a: {  	s0 =	sadd.s32 @!p0 $0x100000, s0  }
0x7b: {  	[sflag:s0] =	ssyncadd.tile.s32 @!p0 $0x1;
	_ =	shalt  }
.Lfunc_end2:
_tile_overlayer_lowered:
.L_overlay_start_2:
0x7c: {  	(tag) =	ssettag $0x2  }
0x7d: {  	s0 =	rddreg [dreg:$0x0];
	s2 =	stileid.u32  }
0x7e: {  	s1 =	rddreg [dreg:$0x1];
	p0 =	sne.s32 s2, $0x0  }
0x7f: {  	s3 =	rddreg [dreg:$0x2];
	[bflag:$0x3] =	sbarrier.arrive $0xFFFF;
	s2 =	simm.s32 @!p0 $0x1C09  }
0x80: {  	[timem:s3], [sflag:s2] =	dma.local @!p0 [hbm:s0], s1  }
0x81: {  	s0 =	simm.s32 @!p0 $0x9  }
0x82: {  	_ =	swait.ge @!p0 [sflag:s0], s1  }
0x83: {  	s1 =	ssub.s32 @!p0 $0x0, s1;
	[sflag:s0] =	ssyncset.done @!p0 $0x0  }
0x84: {  	[sflag:s0] =	ssyncadd.s32 @!p0 s1  }
0x85: {  	[bflag:$0x3] =	sbarrier.arrive $0xFFFF  }
0x86: {  	_ =	shalt  }

// kernel: sparse-core-data-format-call.cloned.1.call-start
scs
called_computation_lowered:
.L_overlay_start_0:
0x0: {  	s2 =	sld [smem:$0x3FD9]  }
0x1: {  	s3 =	sld [smem:$0x3FFE];
	_ =	sdelay $0x1  }
0x2: {  	s1 =	srdreg.scid  }
0x3: {  	s0 =	sand.u32 $0x1, s1  }
0x4: {  	s18 =	sshll.u32 s0, $0xA;
	s2 =	sadd.s32 s3, s2  }
0x5: {  	s2 =	sadd.s32 s2, s18  }
0x6: {  	[smem:$0x3FC5] =	sst s2  }
0x7: {  	_ = 	snop  }
0x8: {  	s2 =	sld [smem:$0x3FD0];
	(tm) =	ssettm $0x1  }
0x9: {  	s19 =	sld [smem:$0x3FFB];
	_ =	sdelay $0x3  }
0xa: {  	_ =	strace s19  }
0xb: {  	s3 =	sld [smem:$0x3FFC];
	_ =	sdelay $0x3  }
0xc: {  	_ =	strace s3  }
0xd: {  	s3 =	sld [smem:$0x3FFD];
	_ =	sdelay $0x3  }
0xe: {  	_ =	strace s3  }
0xf: {  	_ =	strace $0x8FFFFFFF  }
0x10: {  	s20 =	sld [smem:$0x3FDB];
	_ =	sdelay $0x1  }
0x11: {  	s4 =	simm.s32 $_scs_section_size  }
0x12: {  	s5 =	simm.s32 $_size__tile_overlayer_lowered;
	s6 =	simm.s32 $_tile_overlayer_lowered  }
0x13: {  	s23 =	simm.s32 $0x1BFF;
	s22 =	sshll.u32 s6, $0x1;
	s3 =	sadd.s32 s4, s20  }
0x14: {  	s7 =	simm.s32 $0x0;
	s21 =	sshll.u32 s5, $0x1;
	s5 =	sadd.s32 s22, s3  }
0x15: {  	[timem:s7], [sflag:s23] =	dma.local [hbm:s5], s21  }
0x16: {  	_ =	swait.ge [sflag:s23], s21  }
0x17: {  	s4 =	ssub.s32 $0x0, s21;
	[sflag:s23] =	ssyncset.done $0x0  }
0x18: {  	[sflag:s23] =	ssyncadd.s32 s4;
	_ =	sdelay $0x1  }
0x19: {  	s24 =	simm.s32 $0x1B8B  }
0x1a: {  	_ =	swait.ge [sflag:s24], $0x1  }
0x1b: {  	[sflag:s24] =	ssyncset.done $0x0  }
0x1c: {  	s26 =	simm.s32 $0x1B8E;
	s25 =	sld [smem:$0x3FFE];
	[sflag:s24] =	ssyncadd.s32 $0xFFFFFFFF  }
0x1d: {  	s27 =	simm.s32 $execute0_lowered;
	[smem:$0x3FD2] =	sst s26  }
0x1e: {  	s5 =	sshll.u32 s27, $0x1;
	_ =	strace $0x80000049;
	[dreg:$0x1] =	wrdreg $0xFFFFFFFF  }
0x1f: {  	s28 =	simm.s32 $_size_execute0_lowered;
	s3 =	sadd.s32 s3, s5;
	[dreg:$0x0] =	wrdreg $0x0  }
0x20: {  	s5 =	sshll.u32 s28, $0x1;
	[dreg:$0x2] =	wrdreg s3  }
0x21: {  	[dreg:$0x3] =	wrdreg s5  }
0x22: {  	[dreg:$0x4] =	wrdreg $0xC0  }
0x23: {  	_ =	task [dreg:s7], $0x5FFFF  }
0x24: {  	[dreg:$0x1] =	wrdreg $0xFFFFFFFF  }
0x25: {  	[dreg:$0x0] =	wrdreg $0x60  }
0x26: {  	[dreg:$0x2] =	wrdreg s25  }
0x27: {  	[dreg:$0x3] =	wrdreg s2  }
0x28: {  	[dreg:$0x4] =	wrdreg $0x9  }
0x29: {  	_ =	task.clear_ibuf [dreg:s7], $0x5FFFF;
	_ =	strace $0x90000049  }
0x2a: {  	s29 =	simm.s32 $0x9;
	_ =	strace $0x8000004B  }
0x2b: {  	_ =	swait.ge [sflag:s29], $0x1  }
0x2c: {  	[sflag:s29] =	ssyncadd.s32 $0xFFFFFFFF  }
0x2d: {  	_ =	strace $0x9000004B  }
0x2e: {  	_ =	sfence  }
0x2f: {  	s30 =	sld [smem:$0x0];
	_ =	sdelay $0x2  }
0x30: {  	s31 =	sshll.u32 s1, $0xD;
	s1 =	sshrl.u32 s1, $0x2  }
0x31: {  	s3 =	sand.u32 $0x4000, s31;
	s1 =	sadd.s32 s1, s30  }
0x32: {  	s0 =	sor.u32 s3, s0;
	s1 =	sshll.u32 s1, $0x11  }
0x33: {  	s0 =	sor.u32 s1, s0  }
0x34: {  	s0 =	sadd.s32 $0x8F2B, s0  }
0x35: {  	[sflag:s0] =	ssyncadd.remote.s32 $0x1  }
0x36: {  	_ =	sfence.sel $0xFFFF  }
0x37: {  	[dreg:$0x0] =	wrdreg $0xFFFFFFFF;
	(pc) =	sbr.abs _section_cstart, $3  }
0x38: {  	[dreg:$0x1] =	wrdreg $0xFFFFFFFF  }
0x39: {  	_ =	task.clear_ibuf [dreg:s7], $0x2FFFF;
	_ =	strace $0x9FFFFFFF  }
0x3a: {  	(tm) =	ssettm $0x7FFFFFFF  }
0x3b: {  	_ =	shalt  }
tec
execute0_lowered:
.L_overlay_start_1:
0x0: {  	(tag) =	ssettag $0x1  }
0x1: {  	s0 =	srdreg.scid  }
0x2: {  	s1 =	sshll.u32 s0, $0x4  }
0x3: {  	s0 =	stileid.u32;
	s1 =	sand.u32 $0x10, s1  }
0x4: {  	s1 =	sor.u32 s0, s1  }
0x5: {  	s6 =	rddreg [dreg:$0x0];
	s4 =	simm.s32 $0x1;
	s2 =	sshll.u32 s1, $0x7  }
0x6: {  	s7 =	simm.s32 $0x2;
	s12 =	simm.s32 $0x0;
	s1 =	ssub.s32 $0x1000, s2  }
0x7: {  	s8 =	simm.s32 $0x8000;
	s13 =	simm.s32 $0x0;
	s3 =	sand.u32 $0xF80, s1  }
0x8: {  	s9 =	simm.s32 $0x0;
	s5 =	sshrl.u32 s1, $0xC;
	p0 =	sne.s32 s3, $0x0  }
.Ltmp0:
0x9: {  	s1 =	rddreg [dreg:$0x2];
	s4 =	simm.s32 @!p0 $0x0;
	(pc) =	sbr.rel .LBB1_1-.Ltmp0, $4  }
0xa: {  	s11 =	simm.s32 $0x0;
	s3 =	rddreg [dreg:$0x1];
	s5 =	sadd.s32 s4, s5  }
0xb: {  	_ =	strace $0x8000004A;
	s4 =	simm.s32 $0x1;
	s5 =	smul.u32 $0xC8, s5  }
0xc: {  	s6 =	sadd.s32 $0xE00, s6;
	s10 =	smov.u32 s2;
	[sflag:s4] =	ssyncpa.u1 $0x0  }
0xd: {  	p0 =	por $0x0, $0x0;
	[sflag:s7] =	ssyncpa.u1 $0x0;
	s7 =	sor.u32 $0x1, s5  }
.LBB1_4:
0xe: {  	s16 =	sshll.u32 s13, $0x3;
	s17 =	sand.u32 $0x78, s13  }
0xf: {  	s30 =	sand.u32 $0x7E00, s13;
	s12 =	sshll.u32 s12, $0xF;
	s16 =	sand.u32 $0xC00, s16  }
0x10: {  	[tilespmem:s15+$0x810 ss:$0x81] =	vst.msk $0xffff, v2;
	s31 =	sand.u32 $0x7, s13;
	s16 =	sor.u32 s17, s16;
	s17 =	sadd.s32 s3, s30  }
0x11: {  	[tilespmem:s15+$0x1020 ss:$0x81] =	vst.msk $0xffff, v0;
	s13 =	sshll.u32 s31, $0x12;
	s12 =	sadd.s32 s12, s17;
	s16 =	sshrl.u32 s16, $0x3  }
0x12: {  	[tilespmem:s15+$0x0 ss:$0x81] =	vst.msk $0xffff, v1;
	s13 =	sor.u32 $0x400, s13;
	s12 =	sadd.s32 s16, s12  }
0x13: {  	[hbm4b:s12+s13] =	stream.strided.scatter [tilespmem:s14], [sflag:$0x2], $0x2000, s8, s13, $0x20;
	[tilespmem:$0x8080] =	vst v63  }
.LBB1_5:
0x14: {  	s14 =	sadd.s32 $0x1, s9  }
0x15: {  	s12 =	sadd.s32 $0x1000, s10;
	s16 =	smov.u32 s10;
	p2 =	sgt.s32 s14, $0xC7  }
0x16: {  	s16 =	smov.u32 @p2 s12  }
0x17: {  	s14 =	simm.s32 @p2 $0x0;
	p2 =	sgt.s32 s16, $0xFFF  }
0x18: {  	s16 =	smov.u32 @p2 s2;
	p2 =	sne.s32 s11, s7  }
.Ltmp1:
0x19: {  	p1 =	slt.u32 s11, $0x2;
	(pc) =	sbr.rel @!p2 .LBB1_6-.Ltmp1, $4  }
0x1a: {  	s15 =	simm.s32 @!p1 $0x2  }
0x1b: {  	s13 =	smov.u32 s10;
	p0 =	por !p0, !p0;
	_ =	swait.ge @!p1 [sflag:s15], $0x2000  }
0x1c: {  	s12 =	smov.u32 s9;
	[sflag:s15] =	ssyncset.done @!p1 $0x0;
	s9 =	smov.u32 s14  }
0x1d: {  	s11 =	sadd.s32 $0x1, s11;
	[sflag:s15] =	ssyncadd.s32 @!p1 $0xFFFFE000;
	s10 =	smov.u32 s16  }
.LBB1_1:
0x1e: {  	p1 =	sge.u32 s11, s5  }
0x1f: {  	s14 =	sand.u32 @!p1 $0x1FFFFFF, s9  }
0x20: {  	s15 =	smulhi.u32 @!p1 $0x147AE15, s14;
	_ =	sdelay $0x1  }
0x21: {  	s15 =	smul.u32 @!p1 $0xC8, s15  }
0x22: {  	s16 =	sxor.u32 @!p1 $0xFFFFFFFF, s11;
	s17 =	smul.u32 @!p1 $0xC80, s10  }
0x23: {  	s31 =	sadd.s32 $0xFFFFFFFF, s11;
	s16 =	sshll.u32 @!p1 s16, $0xD;
	s14 =	ssub.s32 @!p1 s14, s15  }
0x24: {  	s15 =	sand.u32 @!p1 $0x2000, s16;
	s16 =	sadd.s32 @!p1 s6, s17;
	s14 =	sshll.u32 @!p1 s14, $0x4  }
0x25: {  	s17 =	simm.s32 @!p1 $0x6400;
	s14 =	sadd.s32 @!p1 s14, s16;
	s16 =	simm.s32 @!p1 $0x40  }
0x26: {  	[tilespmem:s15], [sflag:$0x1] =	stream.strided.gather @!p1 [hbm4b:s14+s16], $0x2000, s17, s16, $0x38;
	[tilespmem:$0x8080] =	vst v63  }
0x27: {  	p1 =	sge.u32 s31, s5  }
.Ltmp2:
0x28: {  	_ = 	snop;
	(pc) =	sbr.rel @p1 .LBB1_5-.Ltmp2, $1  }
0x29: {  	_ =	sdelay $0x3  }
0x2a: {  	s14 =	simm.s32 $0x1  }
0x2b: {  	_ =	swait.ge [sflag:s4], $0x2000;
	s14 =	simm.s32 @!p0 $0x0  }
0x2c: {  	[sflag:s4] =	ssyncset.done $0x0;
	s15 =	sshll.u32 s14, $0xD  }
0x2d: {  	[sflag:s4] =	ssyncadd.s32 $0xFFFFE000;
	s18 =	sor.u32 $0x20, s15  }
0x2e: {  	s14 =	smul.u32 $0x8100, s14;
	v3 =	vld [tilespmem:s18+$0x10]  }
0x2f: {  	s30 =	sand.u32 $0x1, s11;
	v2 =	vld [tilespmem:s18+$0xFFFFFFF0]  }
0x30: {  	s15 =	smul.u32 $0x8100, s30;
	s14 =	sshrl.u32 s14, $0x2;
	v0 =	vld [tilespmem:s18+$0x0]  }
0x31: {  	v1 =	vld [tilespmem:s18+$0xFFFFFFE0];
	s16 =	sor.u32 $0x4000, s14  }
0x32: {  	s31 =	sshrl.u32 s15, $0x2;
	s15 =	sadd.s32 $0x0, s16  }
0x33: {  	s17 =	simm.s32 $0x4;
	s18 =	sadd.s32 $0x40, s18;
	s14 =	sor.u32 $0x4000, s31;
	[tilespmem:s15+$0x1830 ss:$0x81] =	vst.msk $0xffff, v3  }
.LBB1_3:
0x34: {  	v3 =	vld [tilespmem:s18+$0x10];
	p1 =	sne.s32 s17, $0x1FC;
	[tilespmem:s15+$0x810 ss:$0x81] =	vst.msk $0xffff, v2;
	s19 =	smov.u32 s17;
	s17 =	sadd.s32 $0x4, s17  }
.Ltmp3:
0x35: {  	v2 =	vld [tilespmem:s18+$0xFFFFFFF0];
	[tilespmem:s15+$0x1020 ss:$0x81] =	vst.msk $0xffff, v0;
	(pc) =	sbr.rel @p1 .LBB1_3-.Ltmp3, $4  }
0x36: {  	v0 =	vld [tilespmem:s18+$0x0];
	[tilespmem:s15+$0x0 ss:$0x81] =	vst.msk $0xffff, v1  }
0x37: {  	s15 =	sshra.s32 s19, $0x2;
	v1 =	vld [tilespmem:s18+$0xFFFFFFE0]  }
0x38: {  	s15 =	sadd.s32 s15, s16  }
0x39: {  	s18 =	sadd.s32 $0x40, s18;
	[tilespmem:s15+$0x1830 ss:$0x81] =	vst.msk $0xffff, v3  }
.Ltmp4:
0x3a: {  	_ = 	snop;
	(pc) =	sbr.rel .LBB1_4-.Ltmp4, $1  }
0x3b: {  	_ =	sdelay $0x3  }
.LBB1_6:
0x3c: {  	_ =	sfence.sel $0x180000  }
0x3d: {  	s2 =	simm.s32 $0x1;
	[bflag:$0x0] =	sbarrier.arrive $0xFFFF  }
0x3e: {  	s31 =	simm.s32 $0x2;
	[sflag:s2] =	ssyncpa.u1 $0x1  }
0x3f: {  	[sflag:s31] =	ssyncpa.u1 $0x1  }
0x40: {  	p0 =	sne.s32 s0, $0x0;
	_ =	strace $0x9000004A  }
0x41: {  	s0 =	sadd.s32 @!p0 $0x100000, s1;
	[bflag:$0x2] =	sbarrier.arrive $0xFFFF  }
0x42: {  	[sflag:s0] =	ssyncadd.tile.s32 @!p0 $0x1;
	_ =	shalt  }
.Lfunc_end1:
_tile_overlayer_lowered:
.L_overlay_start_2:
0x43: {  	(tag) =	ssettag $0x2  }
0x44: {  	s0 =	rddreg [dreg:$0x0];
	s2 =	stileid.u32  }
0x45: {  	s1 =	rddreg [dreg:$0x1];
	p0 =	sne.s32 s2, $0x0  }
0x46: {  	s3 =	rddreg [dreg:$0x2];
	[bflag:$0x3] =	sbarrier.arrive $0xFFFF;
	s2 =	simm.s32 @!p0 $0x1C01  }
0x47: {  	[timem:s3], [sflag:s2] =	dma.local @!p0 [hbm:s0], s1  }
0x48: {  	s0 =	simm.s32 @!p0 $0x1  }
0x49: {  	_ =	swait.ge @!p0 [sflag:s0], s1  }
0x4a: {  	s1 =	ssub.s32 @!p0 $0x0, s1;
	[sflag:s0] =	ssyncset.done @!p0 $0x0  }
0x4b: {  	[sflag:s0] =	ssyncadd.s32 @!p0 s1  }
0x4c: {  	[bflag:$0x3] =	sbarrier.arrive $0xFFFF  }
0x4d: {  	_ =	shalt  }

</sc_bundles>
